<compile_context>
chip_gen: v7x
topology: tpu7x:2x2x1
jax: 0.10.2.dev20260603
libtpu: 0.0.44.dev20260713+nightly
codegen_flags: <defaults>
</compile_context>

<pallas_src>
import functools

import jax
import jax.numpy as jnp
from jax import lax
from jax.experimental import pallas as pl
from jax.experimental.pallas import tpu as pltpu
from jax.experimental.pallas import tpu_sc as plsc

N_NODES = 10000
N_EDGES = 320000
D = 128

NC = 2
NS = 16
NW = NC * NS
E_PER_W = N_EDGES // NW
CHUNK = 80
NCHUNKS = 128
E_PER_W_P = NCHUNKS * CHUNK
NPAIRS = NCHUNKS // 2
ACC_ROWS = 10240
ROWS_PER_TILE = ACC_ROWS // NS
TRASH_ROW = N_NODES + 16



def _prep_body(f_ref, w1_ref, w2_ref, b1_ref, p_ref, bf_ref):
    wf = jnp.dot(w1_ref[...], w2_ref[...], preferred_element_type=jnp.float32)
    p_ref[...] = jnp.dot(f_ref[...], wf, preferred_element_type=jnp.float32)
    bf_ref[...] = jnp.sum(b1_ref[...] * w2_ref[...], axis=0, keepdims=True)


def _prep(features, W1, b1, W2):
    return pl.pallas_call(
        _prep_body,
        out_shape=(
            jax.ShapeDtypeStruct((N_NODES, D), jnp.float32),
            jax.ShapeDtypeStruct((1, D), jnp.float32),
        ),
    )(features, W1, W2, b1.reshape(-1, 1))


def _combine_body(parts_ref, b_ref, o_ref):
    o_ref[...] = (parts_ref[0, :N_NODES] + parts_ref[1, :N_NODES]
                  + b_ref[...])


def _combine(parts, bias_row):
    return pl.pallas_call(
        _combine_body,
        out_shape=jax.ShapeDtypeStruct((N_NODES, D), jnp.float32),
    )(parts, bias_row)



def _agg_body(x_hbm, src_hbm, dst_hbm, out_hbm,
              src_v, dst_v, rows_a, rows_b, acc_sh,
              gsem_a, gsem_b, ssem_a, ssem_b):
    c = lax.axis_index("c")
    s = lax.axis_index("s")
    wid = s * NC + c

    zero16 = jnp.zeros((16,), jnp.float32)

    def zbody(i, carry):
        for j in range(D // 16):
            rows_a[i, pl.ds(j * 16, 16)] = zero16
        return carry

    lax.fori_loop(0, CHUNK, zbody, 0)
    for k in range(ROWS_PER_TILE // CHUNK):
        pltpu.sync_copy(
            rows_a, acc_sh.at[pl.ds(s * ROWS_PER_TILE + k * CHUNK, CHUNK)])
    plsc.subcore_barrier()

    pltpu.sync_copy(src_hbm.at[wid], src_v)
    pltpu.sync_copy(dst_hbm.at[wid], dst_v)

    def g_start(ci, rows_v, sem):
        return pltpu.async_copy(
            x_hbm.at[src_v.at[ci]], rows_v, sem)

    def s_sync(ci, rows_v):
        pltpu.sync_copy(rows_v, acc_sh.at[dst_v.at[ci]], add=True)

    def body(ci, carry):
        g_start(ci, rows_a, gsem_a).wait()
        s_sync(ci, rows_a)
        return carry

    lax.fori_loop(0, NCHUNKS, body, 0)
    plsc.subcore_barrier()

    pltpu.sync_copy(acc_sh.at[pl.ds(s * ROWS_PER_TILE, ROWS_PER_TILE)],
                    out_hbm.at[c, pl.ds(s * ROWS_PER_TILE, ROWS_PER_TILE)])


@functools.partial(
    pl.kernel,
    out_type=jax.ShapeDtypeStruct((NC, ACC_ROWS, D), jnp.float32),
    mesh=plsc.VectorSubcoreMesh(core_axis_name="c", subcore_axis_name="s"),
    scratch_types=[
        pltpu.VMEM((NCHUNKS, CHUNK), jnp.int32),
        pltpu.VMEM((NCHUNKS, CHUNK), jnp.int32),
        pltpu.VMEM((CHUNK, D), jnp.float32),
        pltpu.VMEM((CHUNK, D), jnp.float32),
        pltpu.VMEM_SHARED((ACC_ROWS, D), jnp.float32),
        pltpu.SemaphoreType.DMA,
        pltpu.SemaphoreType.DMA,
        pltpu.SemaphoreType.DMA,
        pltpu.SemaphoreType.DMA,
    ],
)
def _agg(x_hbm, src_hbm, dst_hbm, out_hbm,
         src_v, dst_v, rows_a, rows_b, acc_sh,
         gsem_a, gsem_b, ssem_a, ssem_b):
    _agg_body(x_hbm, src_hbm, dst_hbm, out_hbm,
              src_v, dst_v, rows_a, rows_b, acc_sh,
              gsem_a, gsem_b, ssem_a, ssem_b)



def kernel(features, edge_index, W1, b1, W2, b2):
    ei = edge_index.astype(jnp.int32)
    npad = E_PER_W_P - E_PER_W
    srcw = ei[0].reshape(NW, E_PER_W)
    dstw = ei[1].reshape(NW, E_PER_W)
    src2 = jnp.concatenate(
        [srcw, jnp.zeros((NW, npad), jnp.int32)],
        axis=1).reshape(NW, NCHUNKS, CHUNK)
    dst3 = jnp.concatenate(
        [dstw, jnp.full((NW, npad), TRASH_ROW, jnp.int32)],
        axis=1).reshape(NW, NCHUNKS, CHUNK)

    p, bf = _prep(features, W1, b1, W2)
    parts1 = _agg(p, src2, dst3)
    g = _combine(parts1, bf)
    parts2 = _agg(g, src2, dst3)
    out = _combine(parts2, b2.reshape(1, D))
    return out

# --- scband reference (transcript-rebuilt; emitter-appended) ---
"""Pipeline reference for scband-addon-19885698580969 (READ-ONLY COPY).

The authoritative reference and input builder live on the scoring server;
editing this copy changes nothing except your own understanding.
"""

import jax, jax.numpy as jnp
import numpy as np

N_NODES = 10000
N_EDGES = 320000
D_IN = 128
D_HID = D_IN * 10  # 1280, from post_mod=nn.Linear(in_fea, in_fea*10)
D_OUT = 128


def setup_inputs(seed: int = 0) -> dict:
    key = jax.random.key(seed)
    k1, k2, k3, k4, k5, k6 = jax.random.split(key, 6)
    features = jax.random.normal(k1, (N_NODES, D_IN), dtype=jnp.float32)
    edge_index = jax.random.randint(k2, (2, N_EDGES), 0, N_NODES, dtype=jnp.int64)
    # Linear params sized per init_kwargs (in_fea=128, out_fea=128)
    lim1 = 1.0 / np.sqrt(D_IN)
    W1 = jax.random.uniform(k3, (D_IN, D_HID), minval=-lim1, maxval=lim1, dtype=jnp.float32)
    b1 = jax.random.uniform(k4, (D_HID,), minval=-lim1, maxval=lim1, dtype=jnp.float32)
    lim2 = 1.0 / np.sqrt(D_HID)
    W2 = jax.random.uniform(k5, (D_HID, D_OUT), minval=-lim2, maxval=lim2, dtype=jnp.float32)
    b2 = jax.random.uniform(k6, (D_OUT,), minval=-lim2, maxval=lim2, dtype=jnp.float32)
    return {"features": features, "edge_index": edge_index,
            "W1": W1, "b1": b1, "W2": W2, "b2": b2}


def _gcn_layer(x, src, dst, W, b, n_nodes):
    # GCN with sum-aggregation of neighbor data (func=sum_neighs_data),
    # followed by post_mod linear projection.
    msgs = jnp.take(x, src, axis=0)                      # gather neighbor features
    agg = jax.ops.segment_sum(msgs, dst, num_segments=n_nodes)  # scatter-add by dst
    return agg @ W + b


def reference(features, edge_index, W1, b1, W2, b2):
    src = edge_index[0]
    dst = edge_index[1]
    n = features.shape[0]
    x = _gcn_layer(features, src, dst, W1, b1, n)   # gcn1: sum neighs -> Linear(in, in*10)
    out = _gcn_layer(x, src, dst, W2, b2, n)        # gcn2: sum neighs -> Linear(in*10, out)
    return out

if __name__ == "__main__":
    import jax
    _d = setup_inputs()
    print(jax.jit(kernel)(*tuple(_d.values())))

</pallas_src>

<mosaic_0001>
#map = affine_map<(d0, d1) -> (0, 0)>
#map1 = affine_map<(d0, d1) -> (0, 0, 0)>
module attributes {stable_mosaic.version = 14 : i64} {
  func.func @_agg(%arg0: i32, %arg1: i32, %arg2: memref<10000x128xf32, #tpu.memory_space<hbm>>, %arg3: memref<32x128x80xi32, #tpu.memory_space<hbm>>, %arg4: memref<32x128x80xi32, #tpu.memory_space<hbm>>, %arg5: memref<2x10240x128xf32, #tpu.memory_space<hbm>>, %arg6: memref<128x80xi32, #tpu.memory_space<vmem>>, %arg7: memref<128x80xi32, #tpu.memory_space<vmem>>, %arg8: memref<80x128xf32, #tpu.memory_space<vmem>>, %arg9: memref<80x128xf32, #tpu.memory_space<vmem>>, %arg10: memref<10240x128xf32, #tpu.memory_space<vmem_shared>>, %arg11: memref<!tpu.dma_semaphore, #tpu.memory_space<semaphore_mem>>, %arg12: memref<!tpu.dma_semaphore, #tpu.memory_space<semaphore_mem>>, %arg13: memref<!tpu.dma_semaphore, #tpu.memory_space<semaphore_mem>>, %arg14: memref<!tpu.dma_semaphore, #tpu.memory_space<semaphore_mem>>) attributes {dimension_semantics = [#tpu.dimension_semantics<core_parallel>, #tpu.dimension_semantics<subcore_parallel>], iteration_bounds = array<i64: 2, 16>, scalar_prefetch = 0 : i64, scratch_operands = 9 : i64, tpu.core_type = #tpu.core_type<sc_vector_subcore>, window_params = [{transform_indices = #map}, {transform_indices = #map1}, {transform_indices = #map1}, {transform_indices = #map1}]} {
    %mul3A = arith.constant 2 : i32
    %mul3A_0 = arith.muli %arg1, %mul3A : i32
    %add3A = arith.addi %mul3A_0, %arg0 : i32
    %broadcast_in_dim3A = arith.constant 0.000000e+00 : f32
    %broadcast_in_dim3A_1 = vector.broadcast %broadcast_in_dim3A : f32 to vector<16xf32>
    %scan3A = arith.constant 0 : i32
    %scan3A_2 = arith.constant 0 : i32
    %scan3A_3 = arith.constant 80 : i32
    %scan3A_4 = arith.addi %scan3A_2, %scan3A_3 : i32
    %scan3A_5 = arith.constant 1 : i32
    scf.for %scan3A_50 = %scan3A_2 to %scan3A_4 step %scan3A_5  : i32 {
      %swap3A = arith.index_cast %scan3A_50 : i32 to index
      %swap3A_51 = arith.constant 0 : index
      %swap3A_52 = tpu.vector_load %arg8[%swap3A, %swap3A_51] {strides = array<i32>} : memref<80x128xf32, #tpu.memory_space<vmem>>, vector<1x16xf32>,
      %swap3A_53 = vector.shape_cast %swap3A_52 : vector<1x16xf32> to vector<16xf32>
      %swap3A_54 = vector.shape_cast %broadcast_in_dim3A_1 : vector<16xf32> to vector<1x16xf32>
      tpu.vector_store %arg8[%swap3A, %swap3A_51], %swap3A_54 {strides = array<i32>} : memref<80x128xf32, #tpu.memory_space<vmem>>, vector<1x16xf32>,
      %swap3A_55 = arith.index_cast %scan3A_50 : i32 to index
      %swap3A_56 = arith.constant 16 : index
      %swap3A_57 = tpu.vector_load %arg8[%swap3A_55, %swap3A_56] {strides = array<i32>} : memref<80x128xf32, #tpu.memory_space<vmem>>, vector<1x16xf32>,
      %swap3A_58 = vector.shape_cast %swap3A_57 : vector<1x16xf32> to vector<16xf32>
      %swap3A_59 = vector.shape_cast %broadcast_in_dim3A_1 : vector<16xf32> to vector<1x16xf32>
      tpu.vector_store %arg8[%swap3A_55, %swap3A_56], %swap3A_59 {strides = array<i32>} : memref<80x128xf32, #tpu.memory_space<vmem>>, vector<1x16xf32>,
      %swap3A_60 = arith.index_cast %scan3A_50 : i32 to index
      %swap3A_61 = arith.constant 32 : index
      %swap3A_62 = tpu.vector_load %arg8[%swap3A_60, %swap3A_61] {strides = array<i32>} : memref<80x128xf32, #tpu.memory_space<vmem>>, vector<1x16xf32>,
      %swap3A_63 = vector.shape_cast %swap3A_62 : vector<1x16xf32> to vector<16xf32>
      %swap3A_64 = vector.shape_cast %broadcast_in_dim3A_1 : vector<16xf32> to vector<1x16xf32>
      tpu.vector_store %arg8[%swap3A_60, %swap3A_61], %swap3A_64 {strides = array<i32>} : memref<80x128xf32, #tpu.memory_space<vmem>>, vector<1x16xf32>,
      %swap3A_65 = arith.index_cast %scan3A_50 : i32 to index
      %swap3A_66 = arith.constant 48 : index
      %swap3A_67 = tpu.vector_load %arg8[%swap3A_65, %swap3A_66] {strides = array<i32>} : memref<80x128xf32, #tpu.memory_space<vmem>>, vector<1x16xf32>,
      %swap3A_68 = vector.shape_cast %swap3A_67 : vector<1x16xf32> to vector<16xf32>
      %swap3A_69 = vector.shape_cast %broadcast_in_dim3A_1 : vector<16xf32> to vector<1x16xf32>
      tpu.vector_store %arg8[%swap3A_65, %swap3A_66], %swap3A_69 {strides = array<i32>} : memref<80x128xf32, #tpu.memory_space<vmem>>, vector<1x16xf32>,
      %swap3A_70 = arith.index_cast %scan3A_50 : i32 to index
      %swap3A_71 = arith.constant 64 : index
      %swap3A_72 = tpu.vector_load %arg8[%swap3A_70, %swap3A_71] {strides = array<i32>} : memref<80x128xf32, #tpu.memory_space<vmem>>, vector<1x16xf32>,
      %swap3A_73 = vector.shape_cast %swap3A_72 : vector<1x16xf32> to vector<16xf32>
      %swap3A_74 = vector.shape_cast %broadcast_in_dim3A_1 : vector<16xf32> to vector<1x16xf32>
      tpu.vector_store %arg8[%swap3A_70, %swap3A_71], %swap3A_74 {strides = array<i32>} : memref<80x128xf32, #tpu.memory_space<vmem>>, vector<1x16xf32>,
      %swap3A_75 = arith.index_cast %scan3A_50 : i32 to index
      %swap3A_76 = arith.constant 80 : index
      %swap3A_77 = tpu.vector_load %arg8[%swap3A_75, %swap3A_76] {strides = array<i32>} : memref<80x128xf32, #tpu.memory_space<vmem>>, vector<1x16xf32>,
      %swap3A_78 = vector.shape_cast %swap3A_77 : vector<1x16xf32> to vector<16xf32>
      %swap3A_79 = vector.shape_cast %broadcast_in_dim3A_1 : vector<16xf32> to vector<1x16xf32>
      tpu.vector_store %arg8[%swap3A_75, %swap3A_76], %swap3A_79 {strides = array<i32>} : memref<80x128xf32, #tpu.memory_space<vmem>>, vector<1x16xf32>,
      %swap3A_80 = arith.index_cast %scan3A_50 : i32 to index
      %swap3A_81 = arith.constant 96 : index
      %swap3A_82 = tpu.vector_load %arg8[%swap3A_80, %swap3A_81] {strides = array<i32>} : memref<80x128xf32, #tpu.memory_space<vmem>>, vector<1x16xf32>,
      %swap3A_83 = vector.shape_cast %swap3A_82 : vector<1x16xf32> to vector<16xf32>
      %swap3A_84 = vector.shape_cast %broadcast_in_dim3A_1 : vector<16xf32> to vector<1x16xf32>
      tpu.vector_store %arg8[%swap3A_80, %swap3A_81], %swap3A_84 {strides = array<i32>} : memref<80x128xf32, #tpu.memory_space<vmem>>, vector<1x16xf32>,
      %swap3A_85 = arith.index_cast %scan3A_50 : i32 to index
      %swap3A_86 = arith.constant 112 : index
      %swap3A_87 = tpu.vector_load %arg8[%swap3A_85, %swap3A_86] {strides = array<i32>} : memref<80x128xf32, #tpu.memory_space<vmem>>, vector<1x16xf32>,
      %swap3A_88 = vector.shape_cast %swap3A_87 : vector<1x16xf32> to vector<16xf32>
      %swap3A_89 = vector.shape_cast %broadcast_in_dim3A_1 : vector<16xf32> to vector<1x16xf32>
      tpu.vector_store %arg8[%swap3A_85, %swap3A_86], %swap3A_89 {strides = array<i32>} : memref<80x128xf32, #tpu.memory_space<vmem>>, vector<1x16xf32>,
    }
    %scan3A_6 = arith.constant 80 : i32
    %mul3A_7 = arith.constant 640 : i32
    %mul3A_8 = arith.muli %arg1, %mul3A_7 : i32
    %add3A_9 = arith.constant 0 : i32
    %add3A_10 = arith.addi %mul3A_8, %add3A_9 : i32
    "tpu.region"() ({
      %run_scoped3A = tpu.sem_alloc : memref<!tpu.dma_semaphore, #tpu.memory_space<semaphore_mem>>
      %dma_start3A = arith.constant 0 : i32
      %dma_start3A_50 = tpu.memref_slice %arg10[%add3A_10, %dma_start3A] : memref<10240x128xf32, #tpu.memory_space<vmem_shared>> -> memref<80x128xf32, #tpu.memory_space<vmem_shared>>
      %dma_start3A_51 = arith.constant 0 : i32
      %dma_start3A_52 = tpu.memref_slice %arg10[%add3A_10, %dma_start3A_51] : memref<10240x128xf32, #tpu.memory_space<vmem_shared>> -> memref<80x128xf32, #tpu.memory_space<vmem_shared>>
      tpu.enqueue_dma source(%arg8 : memref<80x128xf32, #tpu.memory_space<vmem>>) target(%dma_start3A_52 : memref<80x128xf32, #tpu.memory_space<vmem_shared>>) target_semaphore(%run_scoped3A : memref<!tpu.dma_semaphore, #tpu.memory_space<semaphore_mem>>)
      %dma_wait3A = arith.constant 0 : i32
      %dma_wait3A_53 = tpu.memref_slice %arg10[%add3A_10, %dma_wait3A] : memref<10240x128xf32, #tpu.memory_space<vmem_shared>> -> memref<80x128xf32, #tpu.memory_space<vmem_shared>>
      %dma_wait3A_54 = arith.constant 0 : i32
      %dma_wait3A_55 = tpu.memref_slice %arg10[%add3A_10, %dma_wait3A_54] : memref<10240x128xf32, #tpu.memory_space<vmem_shared>> -> memref<80x128xf32, #tpu.memory_space<vmem_shared>>
      tpu.wait_dma2 semaphore(%run_scoped3A : memref<!tpu.dma_semaphore, #tpu.memory_space<semaphore_mem>>) src(%arg8 : memref<80x128xf32, #tpu.memory_space<vmem>>) dst(%dma_wait3A_55 : memref<80x128xf32, #tpu.memory_space<vmem_shared>>)
      tpu.yield
    }) : () -> ()
    %mul3A_11 = arith.constant 640 : i32
    %mul3A_12 = arith.muli %arg1, %mul3A_11 : i32
    %add3A_13 = arith.constant 80 : i32
    %add3A_14 = arith.addi %mul3A_12, %add3A_13 : i32
    "tpu.region"() ({
      %run_scoped3A = tpu.sem_alloc : memref<!tpu.dma_semaphore, #tpu.memory_space<semaphore_mem>>
      %dma_start3A = arith.constant 0 : i32
      %dma_start3A_50 = tpu.memref_slice %arg10[%add3A_14, %dma_start3A] : memref<10240x128xf32, #tpu.memory_space<vmem_shared>> -> memref<80x128xf32, #tpu.memory_space<vmem_shared>>
      %dma_start3A_51 = arith.constant 0 : i32
      %dma_start3A_52 = tpu.memref_slice %arg10[%add3A_14, %dma_start3A_51] : memref<10240x128xf32, #tpu.memory_space<vmem_shared>> -> memref<80x128xf32, #tpu.memory_space<vmem_shared>>
      tpu.enqueue_dma source(%arg8 : memref<80x128xf32, #tpu.memory_space<vmem>>) target(%dma_start3A_52 : memref<80x128xf32, #tpu.memory_space<vmem_shared>>) target_semaphore(%run_scoped3A : memref<!tpu.dma_semaphore, #tpu.memory_space<semaphore_mem>>)
      %dma_wait3A = arith.constant 0 : i32
      %dma_wait3A_53 = tpu.memref_slice %arg10[%add3A_14, %dma_wait3A] : memref<10240x128xf32, #tpu.memory_space<vmem_shared>> -> memref<80x128xf32, #tpu.memory_space<vmem_shared>>
      %dma_wait3A_54 = arith.constant 0 : i32
      %dma_wait3A_55 = tpu.memref_slice %arg10[%add3A_14, %dma_wait3A_54] : memref<10240x128xf32, #tpu.memory_space<vmem_shared>> -> memref<80x128xf32, #tpu.memory_space<vmem_shared>>
      tpu.wait_dma2 semaphore(%run_scoped3A : memref<!tpu.dma_semaphore, #tpu.memory_space<semaphore_mem>>) src(%arg8 : memref<80x128xf32, #tpu.memory_space<vmem>>) dst(%dma_wait3A_55 : memref<80x128xf32, #tpu.memory_space<vmem_shared>>)
      tpu.yield
    }) : () -> ()
    %mul3A_15 = arith.constant 640 : i32
    %mul3A_16 = arith.muli %arg1, %mul3A_15 : i32
    %add3A_17 = arith.constant 160 : i32
    %add3A_18 = arith.addi %mul3A_16, %add3A_17 : i32
    "tpu.region"() ({
      %run_scoped3A = tpu.sem_alloc : memref<!tpu.dma_semaphore, #tpu.memory_space<semaphore_mem>>
      %dma_start3A = arith.constant 0 : i32
      %dma_start3A_50 = tpu.memref_slice %arg10[%add3A_18, %dma_start3A] : memref<10240x128xf32, #tpu.memory_space<vmem_shared>> -> memref<80x128xf32, #tpu.memory_space<vmem_shared>>
      %dma_start3A_51 = arith.constant 0 : i32
      %dma_start3A_52 = tpu.memref_slice %arg10[%add3A_18, %dma_start3A_51] : memref<10240x128xf32, #tpu.memory_space<vmem_shared>> -> memref<80x128xf32, #tpu.memory_space<vmem_shared>>
      tpu.enqueue_dma source(%arg8 : memref<80x128xf32, #tpu.memory_space<vmem>>) target(%dma_start3A_52 : memref<80x128xf32, #tpu.memory_space<vmem_shared>>) target_semaphore(%run_scoped3A : memref<!tpu.dma_semaphore, #tpu.memory_space<semaphore_mem>>)
      %dma_wait3A = arith.constant 0 : i32
      %dma_wait3A_53 = tpu.memref_slice %arg10[%add3A_18, %dma_wait3A] : memref<10240x128xf32, #tpu.memory_space<vmem_shared>> -> memref<80x128xf32, #tpu.memory_space<vmem_shared>>
      %dma_wait3A_54 = arith.constant 0 : i32
      %dma_wait3A_55 = tpu.memref_slice %arg10[%add3A_18, %dma_wait3A_54] : memref<10240x128xf32, #tpu.memory_space<vmem_shared>> -> memref<80x128xf32, #tpu.memory_space<vmem_shared>>
      tpu.wait_dma2 semaphore(%run_scoped3A : memref<!tpu.dma_semaphore, #tpu.memory_space<semaphore_mem>>) src(%arg8 : memref<80x128xf32, #tpu.memory_space<vmem>>) dst(%dma_wait3A_55 : memref<80x128xf32, #tpu.memory_space<vmem_shared>>)
      tpu.yield
    }) : () -> ()
    %mul3A_19 = arith.constant 640 : i32
    %mul3A_20 = arith.muli %arg1, %mul3A_19 : i32
    %add3A_21 = arith.constant 240 : i32
    %add3A_22 = arith.addi %mul3A_20, %add3A_21 : i32
    "tpu.region"() ({
      %run_scoped3A = tpu.sem_alloc : memref<!tpu.dma_semaphore, #tpu.memory_space<semaphore_mem>>
      %dma_start3A = arith.constant 0 : i32
      %dma_start3A_50 = tpu.memref_slice %arg10[%add3A_22, %dma_start3A] : memref<10240x128xf32, #tpu.memory_space<vmem_shared>> -> memref<80x128xf32, #tpu.memory_space<vmem_shared>>
      %dma_start3A_51 = arith.constant 0 : i32
      %dma_start3A_52 = tpu.memref_slice %arg10[%add3A_22, %dma_start3A_51] : memref<10240x128xf32, #tpu.memory_space<vmem_shared>> -> memref<80x128xf32, #tpu.memory_space<vmem_shared>>
      tpu.enqueue_dma source(%arg8 : memref<80x128xf32, #tpu.memory_space<vmem>>) target(%dma_start3A_52 : memref<80x128xf32, #tpu.memory_space<vmem_shared>>) target_semaphore(%run_scoped3A : memref<!tpu.dma_semaphore, #tpu.memory_space<semaphore_mem>>)
      %dma_wait3A = arith.constant 0 : i32
      %dma_wait3A_53 = tpu.memref_slice %arg10[%add3A_22, %dma_wait3A] : memref<10240x128xf32, #tpu.memory_space<vmem_shared>> -> memref<80x128xf32, #tpu.memory_space<vmem_shared>>
      %dma_wait3A_54 = arith.constant 0 : i32
      %dma_wait3A_55 = tpu.memref_slice %arg10[%add3A_22, %dma_wait3A_54] : memref<10240x128xf32, #tpu.memory_space<vmem_shared>> -> memref<80x128xf32, #tpu.memory_space<vmem_shared>>
      tpu.wait_dma2 semaphore(%run_scoped3A : memref<!tpu.dma_semaphore, #tpu.memory_space<semaphore_mem>>) src(%arg8 : memref<80x128xf32, #tpu.memory_space<vmem>>) dst(%dma_wait3A_55 : memref<80x128xf32, #tpu.memory_space<vmem_shared>>)
      tpu.yield
    }) : () -> ()
    %mul3A_23 = arith.constant 640 : i32
    %mul3A_24 = arith.muli %arg1, %mul3A_23 : i32
    %add3A_25 = arith.constant 320 : i32
    %add3A_26 = arith.addi %mul3A_24, %add3A_25 : i32
    "tpu.region"() ({
      %run_scoped3A = tpu.sem_alloc : memref<!tpu.dma_semaphore, #tpu.memory_space<semaphore_mem>>
      %dma_start3A = arith.constant 0 : i32
      %dma_start3A_50 = tpu.memref_slice %arg10[%add3A_26, %dma_start3A] : memref<10240x128xf32, #tpu.memory_space<vmem_shared>> -> memref<80x128xf32, #tpu.memory_space<vmem_shared>>
      %dma_start3A_51 = arith.constant 0 : i32
      %dma_start3A_52 = tpu.memref_slice %arg10[%add3A_26, %dma_start3A_51] : memref<10240x128xf32, #tpu.memory_space<vmem_shared>> -> memref<80x128xf32, #tpu.memory_space<vmem_shared>>
      tpu.enqueue_dma source(%arg8 : memref<80x128xf32, #tpu.memory_space<vmem>>) target(%dma_start3A_52 : memref<80x128xf32, #tpu.memory_space<vmem_shared>>) target_semaphore(%run_scoped3A : memref<!tpu.dma_semaphore, #tpu.memory_space<semaphore_mem>>)
      %dma_wait3A = arith.constant 0 : i32
      %dma_wait3A_53 = tpu.memref_slice %arg10[%add3A_26, %dma_wait3A] : memref<10240x128xf32, #tpu.memory_space<vmem_shared>> -> memref<80x128xf32, #tpu.memory_space<vmem_shared>>
      %dma_wait3A_54 = arith.constant 0 : i32
      %dma_wait3A_55 = tpu.memref_slice %arg10[%add3A_26, %dma_wait3A_54] : memref<10240x128xf32, #tpu.memory_space<vmem_shared>> -> memref<80x128xf32, #tpu.memory_space<vmem_shared>>
      tpu.wait_dma2 semaphore(%run_scoped3A : memref<!tpu.dma_semaphore, #tpu.memory_space<semaphore_mem>>) src(%arg8 : memref<80x128xf32, #tpu.memory_space<vmem>>) dst(%dma_wait3A_55 : memref<80x128xf32, #tpu.memory_space<vmem_shared>>)
      tpu.yield
    }) : () -> ()
    %mul3A_27 = arith.constant 640 : i32
    %mul3A_28 = arith.muli %arg1, %mul3A_27 : i32
    %add3A_29 = arith.constant 400 : i32
    %add3A_30 = arith.addi %mul3A_28, %add3A_29 : i32
    "tpu.region"() ({
      %run_scoped3A = tpu.sem_alloc : memref<!tpu.dma_semaphore, #tpu.memory_space<semaphore_mem>>
      %dma_start3A = arith.constant 0 : i32
      %dma_start3A_50 = tpu.memref_slice %arg10[%add3A_30, %dma_start3A] : memref<10240x128xf32, #tpu.memory_space<vmem_shared>> -> memref<80x128xf32, #tpu.memory_space<vmem_shared>>
      %dma_start3A_51 = arith.constant 0 : i32
      %dma_start3A_52 = tpu.memref_slice %arg10[%add3A_30, %dma_start3A_51] : memref<10240x128xf32, #tpu.memory_space<vmem_shared>> -> memref<80x128xf32, #tpu.memory_space<vmem_shared>>
      tpu.enqueue_dma source(%arg8 : memref<80x128xf32, #tpu.memory_space<vmem>>) target(%dma_start3A_52 : memref<80x128xf32, #tpu.memory_space<vmem_shared>>) target_semaphore(%run_scoped3A : memref<!tpu.dma_semaphore, #tpu.memory_space<semaphore_mem>>)
      %dma_wait3A = arith.constant 0 : i32
      %dma_wait3A_53 = tpu.memref_slice %arg10[%add3A_30, %dma_wait3A] : memref<10240x128xf32, #tpu.memory_space<vmem_shared>> -> memref<80x128xf32, #tpu.memory_space<vmem_shared>>
      %dma_wait3A_54 = arith.constant 0 : i32
      %dma_wait3A_55 = tpu.memref_slice %arg10[%add3A_30, %dma_wait3A_54] : memref<10240x128xf32, #tpu.memory_space<vmem_shared>> -> memref<80x128xf32, #tpu.memory_space<vmem_shared>>
      tpu.wait_dma2 semaphore(%run_scoped3A : memref<!tpu.dma_semaphore, #tpu.memory_space<semaphore_mem>>) src(%arg8 : memref<80x128xf32, #tpu.memory_space<vmem>>) dst(%dma_wait3A_55 : memref<80x128xf32, #tpu.memory_space<vmem_shared>>)
      tpu.yield
    }) : () -> ()
    %mul3A_31 = arith.constant 640 : i32
    %mul3A_32 = arith.muli %arg1, %mul3A_31 : i32
    %add3A_33 = arith.constant 480 : i32
    %add3A_34 = arith.addi %mul3A_32, %add3A_33 : i32
    "tpu.region"() ({
      %run_scoped3A = tpu.sem_alloc : memref<!tpu.dma_semaphore, #tpu.memory_space<semaphore_mem>>
      %dma_start3A = arith.constant 0 : i32
      %dma_start3A_50 = tpu.memref_slice %arg10[%add3A_34, %dma_start3A] : memref<10240x128xf32, #tpu.memory_space<vmem_shared>> -> memref<80x128xf32, #tpu.memory_space<vmem_shared>>
      %dma_start3A_51 = arith.constant 0 : i32
      %dma_start3A_52 = tpu.memref_slice %arg10[%add3A_34, %dma_start3A_51] : memref<10240x128xf32, #tpu.memory_space<vmem_shared>> -> memref<80x128xf32, #tpu.memory_space<vmem_shared>>
      tpu.enqueue_dma source(%arg8 : memref<80x128xf32, #tpu.memory_space<vmem>>) target(%dma_start3A_52 : memref<80x128xf32, #tpu.memory_space<vmem_shared>>) target_semaphore(%run_scoped3A : memref<!tpu.dma_semaphore, #tpu.memory_space<semaphore_mem>>)
      %dma_wait3A = arith.constant 0 : i32
      %dma_wait3A_53 = tpu.memref_slice %arg10[%add3A_34, %dma_wait3A] : memref<10240x128xf32, #tpu.memory_space<vmem_shared>> -> memref<80x128xf32, #tpu.memory_space<vmem_shared>>
      %dma_wait3A_54 = arith.constant 0 : i32
      %dma_wait3A_55 = tpu.memref_slice %arg10[%add3A_34, %dma_wait3A_54] : memref<10240x128xf32, #tpu.memory_space<vmem_shared>> -> memref<80x128xf32, #tpu.memory_space<vmem_shared>>
      tpu.wait_dma2 semaphore(%run_scoped3A : memref<!tpu.dma_semaphore, #tpu.memory_space<semaphore_mem>>) src(%arg8 : memref<80x128xf32, #tpu.memory_space<vmem>>) dst(%dma_wait3A_55 : memref<80x128xf32, #tpu.memory_space<vmem_shared>>)
      tpu.yield
    }) : () -> ()
    %mul3A_35 = arith.constant 640 : i32
    %mul3A_36 = arith.muli %arg1, %mul3A_35 : i32
    %add3A_37 = arith.constant 560 : i32
    %add3A_38 = arith.addi %mul3A_36, %add3A_37 : i32
    "tpu.region"() ({
      %run_scoped3A = tpu.sem_alloc : memref<!tpu.dma_semaphore, #tpu.memory_space<semaphore_mem>>
      %dma_start3A = arith.constant 0 : i32
      %dma_start3A_50 = tpu.memref_slice %arg10[%add3A_38, %dma_start3A] : memref<10240x128xf32, #tpu.memory_space<vmem_shared>> -> memref<80x128xf32, #tpu.memory_space<vmem_shared>>
      %dma_start3A_51 = arith.constant 0 : i32
      %dma_start3A_52 = tpu.memref_slice %arg10[%add3A_38, %dma_start3A_51] : memref<10240x128xf32, #tpu.memory_space<vmem_shared>> -> memref<80x128xf32, #tpu.memory_space<vmem_shared>>
      tpu.enqueue_dma source(%arg8 : memref<80x128xf32, #tpu.memory_space<vmem>>) target(%dma_start3A_52 : memref<80x128xf32, #tpu.memory_space<vmem_shared>>) target_semaphore(%run_scoped3A : memref<!tpu.dma_semaphore, #tpu.memory_space<semaphore_mem>>)
      %dma_wait3A = arith.constant 0 : i32
      %dma_wait3A_53 = tpu.memref_slice %arg10[%add3A_38, %dma_wait3A] : memref<10240x128xf32, #tpu.memory_space<vmem_shared>> -> memref<80x128xf32, #tpu.memory_space<vmem_shared>>
      %dma_wait3A_54 = arith.constant 0 : i32
      %dma_wait3A_55 = tpu.memref_slice %arg10[%add3A_38, %dma_wait3A_54] : memref<10240x128xf32, #tpu.memory_space<vmem_shared>> -> memref<80x128xf32, #tpu.memory_space<vmem_shared>>
      tpu.wait_dma2 semaphore(%run_scoped3A : memref<!tpu.dma_semaphore, #tpu.memory_space<semaphore_mem>>) src(%arg8 : memref<80x128xf32, #tpu.memory_space<vmem>>) dst(%dma_wait3A_55 : memref<80x128xf32, #tpu.memory_space<vmem_shared>>)
      tpu.yield
    }) : () -> ()
    %barrier3A = arith.constant 0 : index
    tpu.barrier barrier_id(%barrier3A)
    "tpu.region"() ({
      %run_scoped3A = tpu.sem_alloc : memref<!tpu.dma_semaphore, #tpu.memory_space<semaphore_mem>>
      %dma_start3A = arith.constant 0 : i32
      %dma_start3A_50 = arith.constant 0 : i32
      %dma_start3A_51 = tpu.memref_slice %arg3[%add3A, %dma_start3A, %dma_start3A_50] : memref<32x128x80xi32, #tpu.memory_space<hbm>> -> memref<1x128x80xi32, #tpu.memory_space<hbm>>
      %dma_start3A_52 = tpu.memref_squeeze %dma_start3A_51 : memref<1x128x80xi32, #tpu.memory_space<hbm>> -> memref<128x80xi32, #tpu.memory_space<hbm>>
      %dma_start3A_53 = arith.constant 0 : i32
      %dma_start3A_54 = arith.constant 0 : i32
      %dma_start3A_55 = tpu.memref_slice %arg3[%add3A, %dma_start3A_53, %dma_start3A_54] : memref<32x128x80xi32, #tpu.memory_space<hbm>> -> memref<1x128x80xi32, #tpu.memory_space<hbm>>
      %dma_start3A_56 = tpu.memref_squeeze %dma_start3A_55 : memref<1x128x80xi32, #tpu.memory_space<hbm>> -> memref<128x80xi32, #tpu.memory_space<hbm>>
      tpu.enqueue_dma source(%dma_start3A_56 : memref<128x80xi32, #tpu.memory_space<hbm>>) target(%arg6 : memref<128x80xi32, #tpu.memory_space<vmem>>) target_semaphore(%run_scoped3A : memref<!tpu.dma_semaphore, #tpu.memory_space<semaphore_mem>>)
      %dma_wait3A = arith.constant 0 : i32
      %dma_wait3A_57 = arith.constant 0 : i32
      %dma_wait3A_58 = tpu.memref_slice %arg3[%add3A, %dma_wait3A, %dma_wait3A_57] : memref<32x128x80xi32, #tpu.memory_space<hbm>> -> memref<1x128x80xi32, #tpu.memory_space<hbm>>
      %dma_wait3A_59 = tpu.memref_squeeze %dma_wait3A_58 : memref<1x128x80xi32, #tpu.memory_space<hbm>> -> memref<128x80xi32, #tpu.memory_space<hbm>>
      %dma_wait3A_60 = arith.constant 0 : i32
      %dma_wait3A_61 = arith.constant 0 : i32
      %dma_wait3A_62 = tpu.memref_slice %arg3[%add3A, %dma_wait3A_60, %dma_wait3A_61] : memref<32x128x80xi32, #tpu.memory_space<hbm>> -> memref<1x128x80xi32, #tpu.memory_space<hbm>>
      %dma_wait3A_63 = tpu.memref_squeeze %dma_wait3A_62 : memref<1x128x80xi32, #tpu.memory_space<hbm>> -> memref<128x80xi32, #tpu.memory_space<hbm>>
      tpu.wait_dma2 semaphore(%run_scoped3A : memref<!tpu.dma_semaphore, #tpu.memory_space<semaphore_mem>>) src(%dma_wait3A_63 : memref<128x80xi32, #tpu.memory_space<hbm>>) dst(%arg6 : memref<128x80xi32, #tpu.memory_space<vmem>>)
      tpu.yield
    }) : () -> ()
    "tpu.region"() ({
      %run_scoped3A = tpu.sem_alloc : memref<!tpu.dma_semaphore, #tpu.memory_space<semaphore_mem>>
      %dma_start3A = arith.constant 0 : i32
      %dma_start3A_50 = arith.constant 0 : i32
      %dma_start3A_51 = tpu.memref_slice %arg4[%add3A, %dma_start3A, %dma_start3A_50] : memref<32x128x80xi32, #tpu.memory_space<hbm>> -> memref<1x128x80xi32, #tpu.memory_space<hbm>>
      %dma_start3A_52 = tpu.memref_squeeze %dma_start3A_51 : memref<1x128x80xi32, #tpu.memory_space<hbm>> -> memref<128x80xi32, #tpu.memory_space<hbm>>
      %dma_start3A_53 = arith.constant 0 : i32
      %dma_start3A_54 = arith.constant 0 : i32
      %dma_start3A_55 = tpu.memref_slice %arg4[%add3A, %dma_start3A_53, %dma_start3A_54] : memref<32x128x80xi32, #tpu.memory_space<hbm>> -> memref<1x128x80xi32, #tpu.memory_space<hbm>>
      %dma_start3A_56 = tpu.memref_squeeze %dma_start3A_55 : memref<1x128x80xi32, #tpu.memory_space<hbm>> -> memref<128x80xi32, #tpu.memory_space<hbm>>
      tpu.enqueue_dma source(%dma_start3A_56 : memref<128x80xi32, #tpu.memory_space<hbm>>) target(%arg7 : memref<128x80xi32, #tpu.memory_space<vmem>>) target_semaphore(%run_scoped3A : memref<!tpu.dma_semaphore, #tpu.memory_space<semaphore_mem>>)
      %dma_wait3A = arith.constant 0 : i32
      %dma_wait3A_57 = arith.constant 0 : i32
      %dma_wait3A_58 = tpu.memref_slice %arg4[%add3A, %dma_wait3A, %dma_wait3A_57] : memref<32x128x80xi32, #tpu.memory_space<hbm>> -> memref<1x128x80xi32, #tpu.memory_space<hbm>>
      %dma_wait3A_59 = tpu.memref_squeeze %dma_wait3A_58 : memref<1x128x80xi32, #tpu.memory_space<hbm>> -> memref<128x80xi32, #tpu.memory_space<hbm>>
      %dma_wait3A_60 = arith.constant 0 : i32
      %dma_wait3A_61 = arith.constant 0 : i32
      %dma_wait3A_62 = tpu.memref_slice %arg4[%add3A, %dma_wait3A_60, %dma_wait3A_61] : memref<32x128x80xi32, #tpu.memory_space<hbm>> -> memref<1x128x80xi32, #tpu.memory_space<hbm>>
      %dma_wait3A_63 = tpu.memref_squeeze %dma_wait3A_62 : memref<1x128x80xi32, #tpu.memory_space<hbm>> -> memref<128x80xi32, #tpu.memory_space<hbm>>
      tpu.wait_dma2 semaphore(%run_scoped3A : memref<!tpu.dma_semaphore, #tpu.memory_space<semaphore_mem>>) src(%dma_wait3A_63 : memref<128x80xi32, #tpu.memory_space<hbm>>) dst(%arg7 : memref<128x80xi32, #tpu.memory_space<vmem>>)
      tpu.yield
    }) : () -> ()
    %scan3A_39 = arith.constant 0 : i32
    %scan3A_40 = arith.constant 0 : i32
    %scan3A_41 = arith.constant 128 : i32
    %scan3A_42 = arith.addi %scan3A_40, %scan3A_41 : i32
    %scan3A_43 = arith.constant 1 : i32
    scf.for %scan3A_50 = %scan3A_40 to %scan3A_42 step %scan3A_43  : i32 {
      %dma_start3A = arith.constant 0 : i32
      %dma_start3A_51 = tpu.memref_slice %arg6[%scan3A_50, %dma_start3A] : memref<128x80xi32, #tpu.memory_space<vmem>> -> memref<1x80xi32, #tpu.memory_space<vmem>>
      %dma_start3A_52 = tpu.memref_squeeze %dma_start3A_51 : memref<1x80xi32, #tpu.memory_space<vmem>> -> memref<80xi32, #tpu.memory_space<vmem>>
      %dma_start3A_53 = arith.constant 0 : i32
      %dma_start3A_54 = arith.constant 0 : i32
      %dma_start3A_55 = tpu.memref_slice %arg2[%dma_start3A_53, %dma_start3A_54] : memref<10000x128xf32, #tpu.memory_space<hbm>> -> memref<10000x128xf32, #tpu.memory_space<hbm>>
      tpu.enqueue_indirect_dma source(%dma_start3A_55 : memref<10000x128xf32, #tpu.memory_space<hbm>>) target(%arg8 : memref<80x128xf32, #tpu.memory_space<vmem>>) offsets(%dma_start3A_52 : memref<80xi32, #tpu.memory_space<vmem>>) semaphore(%arg11 : memref<!tpu.dma_semaphore, #tpu.memory_space<semaphore_mem>>)
      %dma_wait3A = arith.constant 0 : i32
      %dma_wait3A_56 = tpu.memref_slice %arg6[%scan3A_50, %dma_wait3A] : memref<128x80xi32, #tpu.memory_space<vmem>> -> memref<1x80xi32, #tpu.memory_space<vmem>>
      %dma_wait3A_57 = tpu.memref_squeeze %dma_wait3A_56 : memref<1x80xi32, #tpu.memory_space<vmem>> -> memref<80xi32, #tpu.memory_space<vmem>>
      %dma_wait3A_58 = arith.constant 0 : i32
      %dma_wait3A_59 = arith.constant 0 : i32
      %dma_wait3A_60 = tpu.memref_slice %arg2[%dma_wait3A_58, %dma_wait3A_59] : memref<10000x128xf32, #tpu.memory_space<hbm>> -> memref<10000x128xf32, #tpu.memory_space<hbm>>
      tpu.wait_indirect_dma semaphore(%arg11 : memref<!tpu.dma_semaphore, #tpu.memory_space<semaphore_mem>>) src(%dma_wait3A_60 : memref<10000x128xf32, #tpu.memory_space<hbm>>) dst(%arg8 : memref<80x128xf32, #tpu.memory_space<vmem>>)
      "tpu.region"() ({
        %run_scoped3A = tpu.sem_alloc : memref<!tpu.dma_semaphore, #tpu.memory_space<semaphore_mem>>
        %dma_start3A_61 = arith.constant 0 : i32
        %dma_start3A_62 = tpu.memref_slice %arg7[%scan3A_50, %dma_start3A_61] : memref<128x80xi32, #tpu.memory_space<vmem>> -> memref<1x80xi32, #tpu.memory_space<vmem>>
        %dma_start3A_63 = tpu.memref_squeeze %dma_start3A_62 : memref<1x80xi32, #tpu.memory_space<vmem>> -> memref<80xi32, #tpu.memory_space<vmem>>
        %dma_start3A_64 = arith.constant 0 : i32
        %dma_start3A_65 = arith.constant 0 : i32
        %dma_start3A_66 = tpu.memref_slice %arg10[%dma_start3A_64, %dma_start3A_65] : memref<10240x128xf32, #tpu.memory_space<vmem_shared>> -> memref<10240x128xf32, #tpu.memory_space<vmem_shared>>
        tpu.enqueue_indirect_dma source(%arg8 : memref<80x128xf32, #tpu.memory_space<vmem>>) target(%dma_start3A_66 : memref<10240x128xf32, #tpu.memory_space<vmem_shared>>) offsets(%dma_start3A_63 : memref<80xi32, #tpu.memory_space<vmem>>) semaphore(%run_scoped3A : memref<!tpu.dma_semaphore, #tpu.memory_space<semaphore_mem>>) {add = true}
        %dma_wait3A_67 = arith.constant 0 : i32
        %dma_wait3A_68 = tpu.memref_slice %arg7[%scan3A_50, %dma_wait3A_67] : memref<128x80xi32, #tpu.memory_space<vmem>> -> memref<1x80xi32, #tpu.memory_space<vmem>>
        %dma_wait3A_69 = tpu.memref_squeeze %dma_wait3A_68 : memref<1x80xi32, #tpu.memory_space<vmem>> -> memref<80xi32, #tpu.memory_space<vmem>>
        %dma_wait3A_70 = arith.constant 0 : i32
        %dma_wait3A_71 = arith.constant 0 : i32
        %dma_wait3A_72 = tpu.memref_slice %arg10[%dma_wait3A_70, %dma_wait3A_71] : memref<10240x128xf32, #tpu.memory_space<vmem_shared>> -> memref<10240x128xf32, #tpu.memory_space<vmem_shared>>
        tpu.wait_indirect_dma semaphore(%run_scoped3A : memref<!tpu.dma_semaphore, #tpu.memory_space<semaphore_mem>>) src(%arg8 : memref<80x128xf32, #tpu.memory_space<vmem>>) dst(%dma_wait3A_72 : memref<10240x128xf32, #tpu.memory_space<vmem_shared>>)
        tpu.yield
      }) : () -> ()
    }
    %scan3A_44 = arith.constant 128 : i32
    %barrier3A_45 = arith.constant 0 : index
    tpu.barrier barrier_id(%barrier3A_45)
    %mul3A_46 = arith.constant 640 : i32
    %mul3A_47 = arith.muli %arg1, %mul3A_46 : i32
    %mul3A_48 = arith.constant 640 : i32
    %mul3A_49 = arith.muli %arg1, %mul3A_48 : i32
    "tpu.region"() ({
      %run_scoped3A = tpu.sem_alloc : memref<!tpu.dma_semaphore, #tpu.memory_space<semaphore_mem>>
      %dma_start3A = arith.constant 0 : i32
      %dma_start3A_50 = tpu.memref_slice %arg5[%arg0, %mul3A_49, %dma_start3A] : memref<2x10240x128xf32, #tpu.memory_space<hbm>> -> memref<1x640x128xf32, #tpu.memory_space<hbm>>
      %dma_start3A_51 = tpu.memref_squeeze %dma_start3A_50 : memref<1x640x128xf32, #tpu.memory_space<hbm>> -> memref<640x128xf32, #tpu.memory_space<hbm>>
      %dma_start3A_52 = arith.constant 0 : i32
      %dma_start3A_53 = tpu.memref_slice %arg10[%mul3A_47, %dma_start3A_52] : memref<10240x128xf32, #tpu.memory_space<vmem_shared>> -> memref<640x128xf32, #tpu.memory_space<vmem_shared>>
      tpu.enqueue_dma source(%dma_start3A_53 : memref<640x128xf32, #tpu.memory_space<vmem_shared>>) target(%dma_start3A_51 : memref<640x128xf32, #tpu.memory_space<hbm>>) target_semaphore(%run_scoped3A : memref<!tpu.dma_semaphore, #tpu.memory_space<semaphore_mem>>)
      %dma_wait3A = arith.constant 0 : i32
      %dma_wait3A_54 = tpu.memref_slice %arg5[%arg0, %mul3A_49, %dma_wait3A] : memref<2x10240x128xf32, #tpu.memory_space<hbm>> -> memref<1x640x128xf32, #tpu.memory_space<hbm>>
      %dma_wait3A_55 = tpu.memref_squeeze %dma_wait3A_54 : memref<1x640x128xf32, #tpu.memory_space<hbm>> -> memref<640x128xf32, #tpu.memory_space<hbm>>
      %dma_wait3A_56 = arith.constant 0 : i32
      %dma_wait3A_57 = tpu.memref_slice %arg10[%mul3A_47, %dma_wait3A_56] : memref<10240x128xf32, #tpu.memory_space<vmem_shared>> -> memref<640x128xf32, #tpu.memory_space<vmem_shared>>
      tpu.wait_dma2 semaphore(%run_scoped3A : memref<!tpu.dma_semaphore, #tpu.memory_space<semaphore_mem>>) src(%dma_wait3A_57 : memref<640x128xf32, #tpu.memory_space<vmem_shared>>) dst(%dma_wait3A_55 : memref<640x128xf32, #tpu.memory_space<hbm>>)
      tpu.yield
    }) : () -> ()
    return
  }
}

#map = affine_map<(d0, d1) -> (0, 0)>
#map1 = affine_map<(d0, d1) -> (0, 0, 0)>
module attributes {stable_mosaic.version = 14 : i64} {
  func.func @_agg(%arg0: i32, %arg1: i32, %arg2: memref<10000x128xf32, #tpu.memory_space<hbm>>, %arg3: memref<32x128x80xi32, #tpu.memory_space<hbm>>, %arg4: memref<32x128x80xi32, #tpu.memory_space<hbm>>, %arg5: memref<2x10240x128xf32, #tpu.memory_space<hbm>>, %arg6: memref<128x80xi32, #tpu.memory_space<vmem>>, %arg7: memref<128x80xi32, #tpu.memory_space<vmem>>, %arg8: memref<80x128xf32, #tpu.memory_space<vmem>>, %arg9: memref<80x128xf32, #tpu.memory_space<vmem>>, %arg10: memref<10240x128xf32, #tpu.memory_space<vmem_shared>>, %arg11: memref<!tpu.dma_semaphore, #tpu.memory_space<semaphore_mem>>, %arg12: memref<!tpu.dma_semaphore, #tpu.memory_space<semaphore_mem>>, %arg13: memref<!tpu.dma_semaphore, #tpu.memory_space<semaphore_mem>>, %arg14: memref<!tpu.dma_semaphore, #tpu.memory_space<semaphore_mem>>) attributes {dimension_semantics = [#tpu.dimension_semantics<core_parallel>, #tpu.dimension_semantics<subcore_parallel>], iteration_bounds = array<i64: 2, 16>, scalar_prefetch = 0 : i64, scratch_operands = 9 : i64, tpu.core_type = #tpu.core_type<sc_vector_subcore>, window_params = [{transform_indices = #map}, {transform_indices = #map1}, {transform_indices = #map1}, {transform_indices = #map1}]} {
    %mul3A = arith.constant 2 : i32
    %mul3A_0 = arith.muli %arg1, %mul3A : i32
    %add3A = arith.addi %mul3A_0, %arg0 : i32
    %broadcast_in_dim3A = arith.constant 0.000000e+00 : f32
    %broadcast_in_dim3A_1 = vector.broadcast %broadcast_in_dim3A : f32 to vector<16xf32>
    %scan3A = arith.constant 0 : i32
    %scan3A_2 = arith.constant 0 : i32
    %scan3A_3 = arith.constant 80 : i32
    %scan3A_4 = arith.addi %scan3A_2, %scan3A_3 : i32
    %scan3A_5 = arith.constant 1 : i32
    scf.for %scan3A_50 = %scan3A_2 to %scan3A_4 step %scan3A_5  : i32 {
      %swap3A = arith.index_cast %scan3A_50 : i32 to index
      %swap3A_51 = arith.constant 0 : index
      %swap3A_52 = tpu.vector_load %arg8[%swap3A, %swap3A_51] {strides = array<i32>} : memref<80x128xf32, #tpu.memory_space<vmem>>, vector<1x16xf32>,
      %swap3A_53 = vector.shape_cast %swap3A_52 : vector<1x16xf32> to vector<16xf32>
      %swap3A_54 = vector.shape_cast %broadcast_in_dim3A_1 : vector<16xf32> to vector<1x16xf32>
      tpu.vector_store %arg8[%swap3A, %swap3A_51], %swap3A_54 {strides = array<i32>} : memref<80x128xf32, #tpu.memory_space<vmem>>, vector<1x16xf32>,
      %swap3A_55 = arith.index_cast %scan3A_50 : i32 to index
      %swap3A_56 = arith.constant 16 : index
      %swap3A_57 = tpu.vector_load %arg8[%swap3A_55, %swap3A_56] {strides = array<i32>} : memref<80x128xf32, #tpu.memory_space<vmem>>, vector<1x16xf32>,
      %swap3A_58 = vector.shape_cast %swap3A_57 : vector<1x16xf32> to vector<16xf32>
      %swap3A_59 = vector.shape_cast %broadcast_in_dim3A_1 : vector<16xf32> to vector<1x16xf32>
      tpu.vector_store %arg8[%swap3A_55, %swap3A_56], %swap3A_59 {strides = array<i32>} : memref<80x128xf32, #tpu.memory_space<vmem>>, vector<1x16xf32>,
      %swap3A_60 = arith.index_cast %scan3A_50 : i32 to index
      %swap3A_61 = arith.constant 32 : index
      %swap3A_62 = tpu.vector_load %arg8[%swap3A_60, %swap3A_61] {strides = array<i32>} : memref<80x128xf32, #tpu.memory_space<vmem>>, vector<1x16xf32>,
      %swap3A_63 = vector.shape_cast %swap3A_62 : vector<1x16xf32> to vector<16xf32>
      %swap3A_64 = vector.shape_cast %broadcast_in_dim3A_1 : vector<16xf32> to vector<1x16xf32>
      tpu.vector_store %arg8[%swap3A_60, %swap3A_61], %swap3A_64 {strides = array<i32>} : memref<80x128xf32, #tpu.memory_space<vmem>>, vector<1x16xf32>,
      %swap3A_65 = arith.index_cast %scan3A_50 : i32 to index
      %swap3A_66 = arith.constant 48 : index
      %swap3A_67 = tpu.vector_load %arg8[%swap3A_65, %swap3A_66] {strides = array<i32>} : memref<80x128xf32, #tpu.memory_space<vmem>>, vector<1x16xf32>,
      %swap3A_68 = vector.shape_cast %swap3A_67 : vector<1x16xf32> to vector<16xf32>
      %swap3A_69 = vector.shape_cast %broadcast_in_dim3A_1 : vector<16xf32> to vector<1x16xf32>
      tpu.vector_store %arg8[%swap3A_65, %swap3A_66], %swap3A_69 {strides = array<i32>} : memref<80x128xf32, #tpu.memory_space<vmem>>, vector<1x16xf32>,
      %swap3A_70 = arith.index_cast %scan3A_50 : i32 to index
      %swap3A_71 = arith.constant 64 : index
      %swap3A_72 = tpu.vector_load %arg8[%swap3A_70, %swap3A_71] {strides = array<i32>} : memref<80x128xf32, #tpu.memory_space<vmem>>, vector<1x16xf32>,
      %swap3A_73 = vector.shape_cast %swap3A_72 : vector<1x16xf32> to vector<16xf32>
      %swap3A_74 = vector.shape_cast %broadcast_in_dim3A_1 : vector<16xf32> to vector<1x16xf32>
      tpu.vector_store %arg8[%swap3A_70, %swap3A_71], %swap3A_74 {strides = array<i32>} : memref<80x128xf32, #tpu.memory_space<vmem>>, vector<1x16xf32>,
      %swap3A_75 = arith.index_cast %scan3A_50 : i32 to index
      %swap3A_76 = arith.constant 80 : index
      %swap3A_77 = tpu.vector_load %arg8[%swap3A_75, %swap3A_76] {strides = array<i32>} : memref<80x128xf32, #tpu.memory_space<vmem>>, vector<1x16xf32>,
      %swap3A_78 = vector.shape_cast %swap3A_77 : vector<1x16xf32> to vector<16xf32>
      %swap3A_79 = vector.shape_cast %broadcast_in_dim3A_1 : vector<16xf32> to vector<1x16xf32>
      tpu.vector_store %arg8[%swap3A_75, %swap3A_76], %swap3A_79 {strides = array<i32>} : memref<80x128xf32, #tpu.memory_space<vmem>>, vector<1x16xf32>,
      %swap3A_80 = arith.index_cast %scan3A_50 : i32 to index
      %swap3A_81 = arith.constant 96 : index
      %swap3A_82 = tpu.vector_load %arg8[%swap3A_80, %swap3A_81] {strides = array<i32>} : memref<80x128xf32, #tpu.memory_space<vmem>>, vector<1x16xf32>,
      %swap3A_83 = vector.shape_cast %swap3A_82 : vector<1x16xf32> to vector<16xf32>
      %swap3A_84 = vector.shape_cast %broadcast_in_dim3A_1 : vector<16xf32> to vector<1x16xf32>
      tpu.vector_store %arg8[%swap3A_80, %swap3A_81], %swap3A_84 {strides = array<i32>} : memref<80x128xf32, #tpu.memory_space<vmem>>, vector<1x16xf32>,
      %swap3A_85 = arith.index_cast %scan3A_50 : i32 to index
      %swap3A_86 = arith.constant 112 : index
      %swap3A_87 = tpu.vector_load %arg8[%swap3A_85, %swap3A_86] {strides = array<i32>} : memref<80x128xf32, #tpu.memory_space<vmem>>, vector<1x16xf32>,
      %swap3A_88 = vector.shape_cast %swap3A_87 : vector<1x16xf32> to vector<16xf32>
      %swap3A_89 = vector.shape_cast %broadcast_in_dim3A_1 : vector<16xf32> to vector<1x16xf32>
      tpu.vector_store %arg8[%swap3A_85, %swap3A_86], %swap3A_89 {strides = array<i32>} : memref<80x128xf32, #tpu.memory_space<vmem>>, vector<1x16xf32>,
    }
    %scan3A_6 = arith.constant 80 : i32
    %mul3A_7 = arith.constant 640 : i32
    %mul3A_8 = arith.muli %arg1, %mul3A_7 : i32
    %add3A_9 = arith.constant 0 : i32
    %add3A_10 = arith.addi %mul3A_8, %add3A_9 : i32
    "tpu.region"() ({
      %run_scoped3A = tpu.sem_alloc : memref<!tpu.dma_semaphore, #tpu.memory_space<semaphore_mem>>
      %dma_start3A = arith.constant 0 : i32
      %dma_start3A_50 = tpu.memref_slice %arg10[%add3A_10, %dma_start3A] : memref<10240x128xf32, #tpu.memory_space<vmem_shared>> -> memref<80x128xf32, #tpu.memory_space<vmem_shared>>
      %dma_start3A_51 = arith.constant 0 : i32
      %dma_start3A_52 = tpu.memref_slice %arg10[%add3A_10, %dma_start3A_51] : memref<10240x128xf32, #tpu.memory_space<vmem_shared>> -> memref<80x128xf32, #tpu.memory_space<vmem_shared>>
      tpu.enqueue_dma source(%arg8 : memref<80x128xf32, #tpu.memory_space<vmem>>) target(%dma_start3A_52 : memref<80x128xf32, #tpu.memory_space<vmem_shared>>) target_semaphore(%run_scoped3A : memref<!tpu.dma_semaphore, #tpu.memory_space<semaphore_mem>>)
      %dma_wait3A = arith.constant 0 : i32
      %dma_wait3A_53 = tpu.memref_slice %arg10[%add3A_10, %dma_wait3A] : memref<10240x128xf32, #tpu.memory_space<vmem_shared>> -> memref<80x128xf32, #tpu.memory_space<vmem_shared>>
      %dma_wait3A_54 = arith.constant 0 : i32
      %dma_wait3A_55 = tpu.memref_slice %arg10[%add3A_10, %dma_wait3A_54] : memref<10240x128xf32, #tpu.memory_space<vmem_shared>> -> memref<80x128xf32, #tpu.memory_space<vmem_shared>>
      tpu.wait_dma2 semaphore(%run_scoped3A : memref<!tpu.dma_semaphore, #tpu.memory_space<semaphore_mem>>) src(%arg8 : memref<80x128xf32, #tpu.memory_space<vmem>>) dst(%dma_wait3A_55 : memref<80x128xf32, #tpu.memory_space<vmem_shared>>)
      tpu.yield
    }) : () -> ()
    %mul3A_11 = arith.constant 640 : i32
    %mul3A_12 = arith.muli %arg1, %mul3A_11 : i32
    %add3A_13 = arith.constant 80 : i32
    %add3A_14 = arith.addi %mul3A_12, %add3A_13 : i32
    "tpu.region"() ({
      %run_scoped3A = tpu.sem_alloc : memref<!tpu.dma_semaphore, #tpu.memory_space<semaphore_mem>>
      %dma_start3A = arith.constant 0 : i32
      %dma_start3A_50 = tpu.memref_slice %arg10[%add3A_14, %dma_start3A] : memref<10240x128xf32, #tpu.memory_space<vmem_shared>> -> memref<80x128xf32, #tpu.memory_space<vmem_shared>>
      %dma_start3A_51 = arith.constant 0 : i32
      %dma_start3A_52 = tpu.memref_slice %arg10[%add3A_14, %dma_start3A_51] : memref<10240x128xf32, #tpu.memory_space<vmem_shared>> -> memref<80x128xf32, #tpu.memory_space<vmem_shared>>
      tpu.enqueue_dma source(%arg8 : memref<80x128xf32, #tpu.memory_space<vmem>>) target(%dma_start3A_52 : memref<80x128xf32, #tpu.memory_space<vmem_shared>>) target_semaphore(%run_scoped3A : memref<!tpu.dma_semaphore, #tpu.memory_space<semaphore_mem>>)
      %dma_wait3A = arith.constant 0 : i32
      %dma_wait3A_53 = tpu.memref_slice %arg10[%add3A_14, %dma_wait3A] : memref<10240x128xf32, #tpu.memory_space<vmem_shared>> -> memref<80x128xf32, #tpu.memory_space<vmem_shared>>
      %dma_wait3A_54 = arith.constant 0 : i32
      %dma_wait3A_55 = tpu.memref_slice %arg10[%add3A_14, %dma_wait3A_54] : memref<10240x128xf32, #tpu.memory_space<vmem_shared>> -> memref<80x128xf32, #tpu.memory_space<vmem_shared>>
      tpu.wait_dma2 semaphore(%run_scoped3A : memref<!tpu.dma_semaphore, #tpu.memory_space<semaphore_mem>>) src(%arg8 : memref<80x128xf32, #tpu.memory_space<vmem>>) dst(%dma_wait3A_55 : memref<80x128xf32, #tpu.memory_space<vmem_shared>>)
      tpu.yield
    }) : () -> ()
    %mul3A_15 = arith.constant 640 : i32
    %mul3A_16 = arith.muli %arg1, %mul3A_15 : i32
    %add3A_17 = arith.constant 160 : i32
    %add3A_18 = arith.addi %mul3A_16, %add3A_17 : i32
    "tpu.region"() ({
      %run_scoped3A = tpu.sem_alloc : memref<!tpu.dma_semaphore, #tpu.memory_space<semaphore_mem>>
      %dma_start3A = arith.constant 0 : i32
      %dma_start3A_50 = tpu.memref_slice %arg10[%add3A_18, %dma_start3A] : memref<10240x128xf32, #tpu.memory_space<vmem_shared>> -> memref<80x128xf32, #tpu.memory_space<vmem_shared>>
      %dma_start3A_51 = arith.constant 0 : i32
      %dma_start3A_52 = tpu.memref_slice %arg10[%add3A_18, %dma_start3A_51] : memref<10240x128xf32, #tpu.memory_space<vmem_shared>> -> memref<80x128xf32, #tpu.memory_space<vmem_shared>>
      tpu.enqueue_dma source(%arg8 : memref<80x128xf32, #tpu.memory_space<vmem>>) target(%dma_start3A_52 : memref<80x128xf32, #tpu.memory_space<vmem_shared>>) target_semaphore(%run_scoped3A : memref<!tpu.dma_semaphore, #tpu.memory_space<semaphore_mem>>)
      %dma_wait3A = arith.constant 0 : i32
      %dma_wait3A_53 = tpu.memref_slice %arg10[%add3A_18, %dma_wait3A] : memref<10240x128xf32, #tpu.memory_space<vmem_shared>> -> memref<80x128xf32, #tpu.memory_space<vmem_shared>>
      %dma_wait3A_54 = arith.constant 0 : i32
      %dma_wait3A_55 = tpu.memref_slice %arg10[%add3A_18, %dma_wait3A_54] : memref<10240x128xf32, #tpu.memory_space<vmem_shared>> -> memref<80x128xf32, #tpu.memory_space<vmem_shared>>
      tpu.wait_dma2 semaphore(%run_scoped3A : memref<!tpu.dma_semaphore, #tpu.memory_space<semaphore_mem>>) src(%arg8 : memref<80x128xf32, #tpu.memory_space<vmem>>) dst(%dma_wait3A_55 : memref<80x128xf32, #tpu.memory_space<vmem_shared>>)
      tpu.yield
    }) : () -> ()
    %mul3A_19 = arith.constant 640 : i32
    %mul3A_20 = arith.muli %arg1, %mul3A_19 : i32
    %add3A_21 = arith.constant 240 : i32
    %add3A_22 = arith.addi %mul3A_20, %add3A_21 : i32
    "tpu.region"() ({
      %run_scoped3A = tpu.sem_alloc : memref<!tpu.dma_semaphore, #tpu.memory_space<semaphore_mem>>
      %dma_start3A = arith.constant 0 : i32
      %dma_start3A_50 = tpu.memref_slice %arg10[%add3A_22, %dma_start3A] : memref<10240x128xf32, #tpu.memory_space<vmem_shared>> -> memref<80x128xf32, #tpu.memory_space<vmem_shared>>
      %dma_start3A_51 = arith.constant 0 : i32
      %dma_start3A_52 = tpu.memref_slice %arg10[%add3A_22, %dma_start3A_51] : memref<10240x128xf32, #tpu.memory_space<vmem_shared>> -> memref<80x128xf32, #tpu.memory_space<vmem_shared>>
      tpu.enqueue_dma source(%arg8 : memref<80x128xf32, #tpu.memory_space<vmem>>) target(%dma_start3A_52 : memref<80x128xf32, #tpu.memory_space<vmem_shared>>) target_semaphore(%run_scoped3A : memref<!tpu.dma_semaphore, #tpu.memory_space<semaphore_mem>>)
      %dma_wait3A = arith.constant 0 : i32
      %dma_wait3A_53 = tpu.memref_slice %arg10[%add3A_22, %dma_wait3A] : memref<10240x128xf32, #tpu.memory_space<vmem_shared>> -> memref<80x128xf32, #tpu.memory_space<vmem_shared>>
      %dma_wait3A_54 = arith.constant 0 : i32
      %dma_wait3A_55 = tpu.memref_slice %arg10[%add3A_22, %dma_wait3A_54] : memref<10240x128xf32, #tpu.memory_space<vmem_shared>> -> memref<80x128xf32, #tpu.memory_space<vmem_shared>>
      tpu.wait_dma2 semaphore(%run_scoped3A : memref<!tpu.dma_semaphore, #tpu.memory_space<semaphore_mem>>) src(%arg8 : memref<80x128xf32, #tpu.memory_space<vmem>>) dst(%dma_wait3A_55 : memref<80x128xf32, #tpu.memory_space<vmem_shared>>)
      tpu.yield
    }) : () -> ()
    %mul3A_23 = arith.constant 640 : i32
    %mul3A_24 = arith.muli %arg1, %mul3A_23 : i32
    %add3A_25 = arith.constant 320 : i32
    %add3A_26 = arith.addi %mul3A_24, %add3A_25 : i32
    "tpu.region"() ({
      %run_scoped3A = tpu.sem_alloc : memref<!tpu.dma_semaphore, #tpu.memory_space<semaphore_mem>>
      %dma_start3A = arith.constant 0 : i32
      %dma_start3A_50 = tpu.memref_slice %arg10[%add3A_26, %dma_start3A] : memref<10240x128xf32, #tpu.memory_space<vmem_shared>> -> memref<80x128xf32, #tpu.memory_space<vmem_shared>>
      %dma_start3A_51 = arith.constant 0 : i32
      %dma_start3A_52 = tpu.memref_slice %arg10[%add3A_26, %dma_start3A_51] : memref<10240x128xf32, #tpu.memory_space<vmem_shared>> -> memref<80x128xf32, #tpu.memory_space<vmem_shared>>
      tpu.enqueue_dma source(%arg8 : memref<80x128xf32, #tpu.memory_space<vmem>>) target(%dma_start3A_52 : memref<80x128xf32, #tpu.memory_space<vmem_shared>>) target_semaphore(%run_scoped3A : memref<!tpu.dma_semaphore, #tpu.memory_space<semaphore_mem>>)
      %dma_wait3A = arith.constant 0 : i32
      %dma_wait3A_53 = tpu.memref_slice %arg10[%add3A_26, %dma_wait3A] : memref<10240x128xf32, #tpu.memory_space<vmem_shared>> -> memref<80x128xf32, #tpu.memory_space<vmem_shared>>
      %dma_wait3A_54 = arith.constant 0 : i32
      %dma_wait3A_55 = tpu.memref_slice %arg10[%add3A_26, %dma_wait3A_54] : memref<10240x128xf32, #tpu.memory_space<vmem_shared>> -> memref<80x128xf32, #tpu.memory_space<vmem_shared>>
      tpu.wait_dma2 semaphore(%run_scoped3A : memref<!tpu.dma_semaphore, #tpu.memory_space<semaphore_mem>>) src(%arg8 : memref<80x128xf32, #tpu.memory_space<vmem>>) dst(%dma_wait3A_55 : memref<80x128xf32, #tpu.memory_space<vmem_shared>>)
      tpu.yield
    }) : () -> ()
    %mul3A_27 = arith.constant 640 : i32
    %mul3A_28 = arith.muli %arg1, %mul3A_27 : i32
    %add3A_29 = arith.constant 400 : i32
    %add3A_30 = arith.addi %mul3A_28, %add3A_29 : i32
    "tpu.region"() ({
      %run_scoped3A = tpu.sem_alloc : memref<!tpu.dma_semaphore, #tpu.memory_space<semaphore_mem>>
      %dma_start3A = arith.constant 0 : i32
      %dma_start3A_50 = tpu.memref_slice %arg10[%add3A_30, %dma_start3A] : memref<10240x128xf32, #tpu.memory_space<vmem_shared>> -> memref<80x128xf32, #tpu.memory_space<vmem_shared>>
      %dma_start3A_51 = arith.constant 0 : i32
      %dma_start3A_52 = tpu.memref_slice %arg10[%add3A_30, %dma_start3A_51] : memref<10240x128xf32, #tpu.memory_space<vmem_shared>> -> memref<80x128xf32, #tpu.memory_space<vmem_shared>>
      tpu.enqueue_dma source(%arg8 : memref<80x128xf32, #tpu.memory_space<vmem>>) target(%dma_start3A_52 : memref<80x128xf32, #tpu.memory_space<vmem_shared>>) target_semaphore(%run_scoped3A : memref<!tpu.dma_semaphore, #tpu.memory_space<semaphore_mem>>)
      %dma_wait3A = arith.constant 0 : i32
      %dma_wait3A_53 = tpu.memref_slice %arg10[%add3A_30, %dma_wait3A] : memref<10240x128xf32, #tpu.memory_space<vmem_shared>> -> memref<80x128xf32, #tpu.memory_space<vmem_shared>>
      %dma_wait3A_54 = arith.constant 0 : i32
      %dma_wait3A_55 = tpu.memref_slice %arg10[%add3A_30, %dma_wait3A_54] : memref<10240x128xf32, #tpu.memory_space<vmem_shared>> -> memref<80x128xf32, #tpu.memory_space<vmem_shared>>
      tpu.wait_dma2 semaphore(%run_scoped3A : memref<!tpu.dma_semaphore, #tpu.memory_space<semaphore_mem>>) src(%arg8 : memref<80x128xf32, #tpu.memory_space<vmem>>) dst(%dma_wait3A_55 : memref<80x128xf32, #tpu.memory_space<vmem_shared>>)
      tpu.yield
    }) : () -> ()
    %mul3A_31 = arith.constant 640 : i32
    %mul3A_32 = arith.muli %arg1, %mul3A_31 : i32
    %add3A_33 = arith.constant 480 : i32
    %add3A_34 = arith.addi %mul3A_32, %add3A_33 : i32
    "tpu.region"() ({
      %run_scoped3A = tpu.sem_alloc : memref<!tpu.dma_semaphore, #tpu.memory_space<semaphore_mem>>
      %dma_start3A = arith.constant 0 : i32
      %dma_start3A_50 = tpu.memref_slice %arg10[%add3A_34, %dma_start3A] : memref<10240x128xf32, #tpu.memory_space<vmem_shared>> -> memref<80x128xf32, #tpu.memory_space<vmem_shared>>
      %dma_start3A_51 = arith.constant 0 : i32
      %dma_start3A_52 = tpu.memref_slice %arg10[%add3A_34, %dma_start3A_51] : memref<10240x128xf32, #tpu.memory_space<vmem_shared>> -> memref<80x128xf32, #tpu.memory_space<vmem_shared>>
      tpu.enqueue_dma source(%arg8 : memref<80x128xf32, #tpu.memory_space<vmem>>) target(%dma_start3A_52 : memref<80x128xf32, #tpu.memory_space<vmem_shared>>) target_semaphore(%run_scoped3A : memref<!tpu.dma_semaphore, #tpu.memory_space<semaphore_mem>>)
      %dma_wait3A = arith.constant 0 : i32
      %dma_wait3A_53 = tpu.memref_slice %arg10[%add3A_34, %dma_wait3A] : memref<10240x128xf32, #tpu.memory_space<vmem_shared>> -> memref<80x128xf32, #tpu.memory_space<vmem_shared>>
      %dma_wait3A_54 = arith.constant 0 : i32
      %dma_wait3A_55 = tpu.memref_slice %arg10[%add3A_34, %dma_wait3A_54] : memref<10240x128xf32, #tpu.memory_space<vmem_shared>> -> memref<80x128xf32, #tpu.memory_space<vmem_shared>>
      tpu.wait_dma2 semaphore(%run_scoped3A : memref<!tpu.dma_semaphore, #tpu.memory_space<semaphore_mem>>) src(%arg8 : memref<80x128xf32, #tpu.memory_space<vmem>>) dst(%dma_wait3A_55 : memref<80x128xf32, #tpu.memory_space<vmem_shared>>)
      tpu.yield
    }) : () -> ()
    %mul3A_35 = arith.constant 640 : i32
    %mul3A_36 = arith.muli %arg1, %mul3A_35 : i32
    %add3A_37 = arith.constant 560 : i32
    %add3A_38 = arith.addi %mul3A_36, %add3A_37 : i32
    "tpu.region"() ({
      %run_scoped3A = tpu.sem_alloc : memref<!tpu.dma_semaphore, #tpu.memory_space<semaphore_mem>>
      %dma_start3A = arith.constant 0 : i32
      %dma_start3A_50 = tpu.memref_slice %arg10[%add3A_38, %dma_start3A] : memref<10240x128xf32, #tpu.memory_space<vmem_shared>> -> memref<80x128xf32, #tpu.memory_space<vmem_shared>>
      %dma_start3A_51 = arith.constant 0 : i32
      %dma_start3A_52 = tpu.memref_slice %arg10[%add3A_38, %dma_start3A_51] : memref<10240x128xf32, #tpu.memory_space<vmem_shared>> -> memref<80x128xf32, #tpu.memory_space<vmem_shared>>
      tpu.enqueue_dma source(%arg8 : memref<80x128xf32, #tpu.memory_space<vmem>>) target(%dma_start3A_52 : memref<80x128xf32, #tpu.memory_space<vmem_shared>>) target_semaphore(%run_scoped3A : memref<!tpu.dma_semaphore, #tpu.memory_space<semaphore_mem>>)
      %dma_wait3A = arith.constant 0 : i32
      %dma_wait3A_53 = tpu.memref_slice %arg10[%add3A_38, %dma_wait3A] : memref<10240x128xf32, #tpu.memory_space<vmem_shared>> -> memref<80x128xf32, #tpu.memory_space<vmem_shared>>
      %dma_wait3A_54 = arith.constant 0 : i32
      %dma_wait3A_55 = tpu.memref_slice %arg10[%add3A_38, %dma_wait3A_54] : memref<10240x128xf32, #tpu.memory_space<vmem_shared>> -> memref<80x128xf32, #tpu.memory_space<vmem_shared>>
      tpu.wait_dma2 semaphore(%run_scoped3A : memref<!tpu.dma_semaphore, #tpu.memory_space<semaphore_mem>>) src(%arg8 : memref<80x128xf32, #tpu.memory_space<vmem>>) dst(%dma_wait3A_55 : memref<80x128xf32, #tpu.memory_space<vmem_shared>>)
      tpu.yield
    }) : () -> ()
    %barrier3A = arith.constant 0 : index
    tpu.barrier barrier_id(%barrier3A)
    "tpu.region"() ({
      %run_scoped3A = tpu.sem_alloc : memref<!tpu.dma_semaphore, #tpu.memory_space<semaphore_mem>>
      %dma_start3A = arith.constant 0 : i32
      %dma_start3A_50 = arith.constant 0 : i32
      %dma_start3A_51 = tpu.memref_slice %arg3[%add3A, %dma_start3A, %dma_start3A_50] : memref<32x128x80xi32, #tpu.memory_space<hbm>> -> memref<1x128x80xi32, #tpu.memory_space<hbm>>
      %dma_start3A_52 = tpu.memref_squeeze %dma_start3A_51 : memref<1x128x80xi32, #tpu.memory_space<hbm>> -> memref<128x80xi32, #tpu.memory_space<hbm>>
      %dma_start3A_53 = arith.constant 0 : i32
      %dma_start3A_54 = arith.constant 0 : i32
      %dma_start3A_55 = tpu.memref_slice %arg3[%add3A, %dma_start3A_53, %dma_start3A_54] : memref<32x128x80xi32, #tpu.memory_space<hbm>> -> memref<1x128x80xi32, #tpu.memory_space<hbm>>
      %dma_start3A_56 = tpu.memref_squeeze %dma_start3A_55 : memref<1x128x80xi32, #tpu.memory_space<hbm>> -> memref<128x80xi32, #tpu.memory_space<hbm>>
      tpu.enqueue_dma source(%dma_start3A_56 : memref<128x80xi32, #tpu.memory_space<hbm>>) target(%arg6 : memref<128x80xi32, #tpu.memory_space<vmem>>) target_semaphore(%run_scoped3A : memref<!tpu.dma_semaphore, #tpu.memory_space<semaphore_mem>>)
      %dma_wait3A = arith.constant 0 : i32
      %dma_wait3A_57 = arith.constant 0 : i32
      %dma_wait3A_58 = tpu.memref_slice %arg3[%add3A, %dma_wait3A, %dma_wait3A_57] : memref<32x128x80xi32, #tpu.memory_space<hbm>> -> memref<1x128x80xi32, #tpu.memory_space<hbm>>
      %dma_wait3A_59 = tpu.memref_squeeze %dma_wait3A_58 : memref<1x128x80xi32, #tpu.memory_space<hbm>> -> memref<128x80xi32, #tpu.memory_space<hbm>>
      %dma_wait3A_60 = arith.constant 0 : i32
      %dma_wait3A_61 = arith.constant 0 : i32
      %dma_wait3A_62 = tpu.memref_slice %arg3[%add3A, %dma_wait3A_60, %dma_wait3A_61] : memref<32x128x80xi32, #tpu.memory_space<hbm>> -> memref<1x128x80xi32, #tpu.memory_space<hbm>>
      %dma_wait3A_63 = tpu.memref_squeeze %dma_wait3A_62 : memref<1x128x80xi32, #tpu.memory_space<hbm>> -> memref<128x80xi32, #tpu.memory_space<hbm>>
      tpu.wait_dma2 semaphore(%run_scoped3A : memref<!tpu.dma_semaphore, #tpu.memory_space<semaphore_mem>>) src(%dma_wait3A_63 : memref<128x80xi32, #tpu.memory_space<hbm>>) dst(%arg6 : memref<128x80xi32, #tpu.memory_space<vmem>>)
      tpu.yield
    }) : () -> ()
    "tpu.region"() ({
      %run_scoped3A = tpu.sem_alloc : memref<!tpu.dma_semaphore, #tpu.memory_space<semaphore_mem>>
      %dma_start3A = arith.constant 0 : i32
      %dma_start3A_50 = arith.constant 0 : i32
      %dma_start3A_51 = tpu.memref_slice %arg4[%add3A, %dma_start3A, %dma_start3A_50] : memref<32x128x80xi32, #tpu.memory_space<hbm>> -> memref<1x128x80xi32, #tpu.memory_space<hbm>>
      %dma_start3A_52 = tpu.memref_squeeze %dma_start3A_51 : memref<1x128x80xi32, #tpu.memory_space<hbm>> -> memref<128x80xi32, #tpu.memory_space<hbm>>
      %dma_start3A_53 = arith.constant 0 : i32
      %dma_start3A_54 = arith.constant 0 : i32
      %dma_start3A_55 = tpu.memref_slice %arg4[%add3A, %dma_start3A_53, %dma_start3A_54] : memref<32x128x80xi32, #tpu.memory_space<hbm>> -> memref<1x128x80xi32, #tpu.memory_space<hbm>>
      %dma_start3A_56 = tpu.memref_squeeze %dma_start3A_55 : memref<1x128x80xi32, #tpu.memory_space<hbm>> -> memref<128x80xi32, #tpu.memory_space<hbm>>
      tpu.enqueue_dma source(%dma_start3A_56 : memref<128x80xi32, #tpu.memory_space<hbm>>) target(%arg7 : memref<128x80xi32, #tpu.memory_space<vmem>>) target_semaphore(%run_scoped3A : memref<!tpu.dma_semaphore, #tpu.memory_space<semaphore_mem>>)
      %dma_wait3A = arith.constant 0 : i32
      %dma_wait3A_57 = arith.constant 0 : i32
      %dma_wait3A_58 = tpu.memref_slice %arg4[%add3A, %dma_wait3A, %dma_wait3A_57] : memref<32x128x80xi32, #tpu.memory_space<hbm>> -> memref<1x128x80xi32, #tpu.memory_space<hbm>>
      %dma_wait3A_59 = tpu.memref_squeeze %dma_wait3A_58 : memref<1x128x80xi32, #tpu.memory_space<hbm>> -> memref<128x80xi32, #tpu.memory_space<hbm>>
      %dma_wait3A_60 = arith.constant 0 : i32
      %dma_wait3A_61 = arith.constant 0 : i32
      %dma_wait3A_62 = tpu.memref_slice %arg4[%add3A, %dma_wait3A_60, %dma_wait3A_61] : memref<32x128x80xi32, #tpu.memory_space<hbm>> -> memref<1x128x80xi32, #tpu.memory_space<hbm>>
      %dma_wait3A_63 = tpu.memref_squeeze %dma_wait3A_62 : memref<1x128x80xi32, #tpu.memory_space<hbm>> -> memref<128x80xi32, #tpu.memory_space<hbm>>
      tpu.wait_dma2 semaphore(%run_scoped3A : memref<!tpu.dma_semaphore, #tpu.memory_space<semaphore_mem>>) src(%dma_wait3A_63 : memref<128x80xi32, #tpu.memory_space<hbm>>) dst(%arg7 : memref<128x80xi32, #tpu.memory_space<vmem>>)
      tpu.yield
    }) : () -> ()
    %scan3A_39 = arith.constant 0 : i32
    %scan3A_40 = arith.constant 0 : i32
    %scan3A_41 = arith.constant 128 : i32
    %scan3A_42 = arith.addi %scan3A_40, %scan3A_41 : i32
    %scan3A_43 = arith.constant 1 : i32
    scf.for %scan3A_50 = %scan3A_40 to %scan3A_42 step %scan3A_43  : i32 {
      %dma_start3A = arith.constant 0 : i32
      %dma_start3A_51 = tpu.memref_slice %arg6[%scan3A_50, %dma_start3A] : memref<128x80xi32, #tpu.memory_space<vmem>> -> memref<1x80xi32, #tpu.memory_space<vmem>>
      %dma_start3A_52 = tpu.memref_squeeze %dma_start3A_51 : memref<1x80xi32, #tpu.memory_space<vmem>> -> memref<80xi32, #tpu.memory_space<vmem>>
      %dma_start3A_53 = arith.constant 0 : i32
      %dma_start3A_54 = arith.constant 0 : i32
      %dma_start3A_55 = tpu.memref_slice %arg2[%dma_start3A_53, %dma_start3A_54] : memref<10000x128xf32, #tpu.memory_space<hbm>> -> memref<10000x128xf32, #tpu.memory_space<hbm>>
      tpu.enqueue_indirect_dma source(%dma_start3A_55 : memref<10000x128xf32, #tpu.memory_space<hbm>>) target(%arg8 : memref<80x128xf32, #tpu.memory_space<vmem>>) offsets(%dma_start3A_52 : memref<80xi32, #tpu.memory_space<vmem>>) semaphore(%arg11 : memref<!tpu.dma_semaphore, #tpu.memory_space<semaphore_mem>>)
      %dma_wait3A = arith.constant 0 : i32
      %dma_wait3A_56 = tpu.memref_slice %arg6[%scan3A_50, %dma_wait3A] : memref<128x80xi32, #tpu.memory_space<vmem>> -> memref<1x80xi32, #tpu.memory_space<vmem>>
      %dma_wait3A_57 = tpu.memref_squeeze %dma_wait3A_56 : memref<1x80xi32, #tpu.memory_space<vmem>> -> memref<80xi32, #tpu.memory_space<vmem>>
      %dma_wait3A_58 = arith.constant 0 : i32
      %dma_wait3A_59 = arith.constant 0 : i32
      %dma_wait3A_60 = tpu.memref_slice %arg2[%dma_wait3A_58, %dma_wait3A_59] : memref<10000x128xf32, #tpu.memory_space<hbm>> -> memref<10000x128xf32, #tpu.memory_space<hbm>>
      tpu.wait_indirect_dma semaphore(%arg11 : memref<!tpu.dma_semaphore, #tpu.memory_space<semaphore_mem>>) src(%dma_wait3A_60 : memref<10000x128xf32, #tpu.memory_space<hbm>>) dst(%arg8 : memref<80x128xf32, #tpu.memory_space<vmem>>)
      "tpu.region"() ({
        %run_scoped3A = tpu.sem_alloc : memref<!tpu.dma_semaphore, #tpu.memory_space<semaphore_mem>>
        %dma_start3A_61 = arith.constant 0 : i32
        %dma_start3A_62 = tpu.memref_slice %arg7[%scan3A_50, %dma_start3A_61] : memref<128x80xi32, #tpu.memory_space<vmem>> -> memref<1x80xi32, #tpu.memory_space<vmem>>
        %dma_start3A_63 = tpu.memref_squeeze %dma_start3A_62 : memref<1x80xi32, #tpu.memory_space<vmem>> -> memref<80xi32, #tpu.memory_space<vmem>>
        %dma_start3A_64 = arith.constant 0 : i32
        %dma_start3A_65 = arith.constant 0 : i32
        %dma_start3A_66 = tpu.memref_slice %arg10[%dma_start3A_64, %dma_start3A_65] : memref<10240x128xf32, #tpu.memory_space<vmem_shared>> -> memref<10240x128xf32, #tpu.memory_space<vmem_shared>>
        tpu.enqueue_indirect_dma source(%arg8 : memref<80x128xf32, #tpu.memory_space<vmem>>) target(%dma_start3A_66 : memref<10240x128xf32, #tpu.memory_space<vmem_shared>>) offsets(%dma_start3A_63 : memref<80xi32, #tpu.memory_space<vmem>>) semaphore(%run_scoped3A : memref<!tpu.dma_semaphore, #tpu.memory_space<semaphore_mem>>) {add = true}
        %dma_wait3A_67 = arith.constant 0 : i32
        %dma_wait3A_68 = tpu.memref_slice %arg7[%scan3A_50, %dma_wait3A_67] : memref<128x80xi32, #tpu.memory_space<vmem>> -> memref<1x80xi32, #tpu.memory_space<vmem>>
        %dma_wait3A_69 = tpu.memref_squeeze %dma_wait3A_68 : memref<1x80xi32, #tpu.memory_space<vmem>> -> memref<80xi32, #tpu.memory_space<vmem>>
        %dma_wait3A_70 = arith.constant 0 : i32
        %dma_wait3A_71 = arith.constant 0 : i32
        %dma_wait3A_72 = tpu.memref_slice %arg10[%dma_wait3A_70, %dma_wait3A_71] : memref<10240x128xf32, #tpu.memory_space<vmem_shared>> -> memref<10240x128xf32, #tpu.memory_space<vmem_shared>>
        tpu.wait_indirect_dma semaphore(%run_scoped3A : memref<!tpu.dma_semaphore, #tpu.memory_space<semaphore_mem>>) src(%arg8 : memref<80x128xf32, #tpu.memory_space<vmem>>) dst(%dma_wait3A_72 : memref<10240x128xf32, #tpu.memory_space<vmem_shared>>)
        tpu.yield
      }) : () -> ()
    }
    %scan3A_44 = arith.constant 128 : i32
    %barrier3A_45 = arith.constant 0 : index
    tpu.barrier barrier_id(%barrier3A_45)
    %mul3A_46 = arith.constant 640 : i32
    %mul3A_47 = arith.muli %arg1, %mul3A_46 : i32
    %mul3A_48 = arith.constant 640 : i32
    %mul3A_49 = arith.muli %arg1, %mul3A_48 : i32
    "tpu.region"() ({
      %run_scoped3A = tpu.sem_alloc : memref<!tpu.dma_semaphore, #tpu.memory_space<semaphore_mem>>
      %dma_start3A = arith.constant 0 : i32
      %dma_start3A_50 = tpu.memref_slice %arg5[%arg0, %mul3A_49, %dma_start3A] : memref<2x10240x128xf32, #tpu.memory_space<hbm>> -> memref<1x640x128xf32, #tpu.memory_space<hbm>>
      %dma_start3A_51 = tpu.memref_squeeze %dma_start3A_50 : memref<1x640x128xf32, #tpu.memory_space<hbm>> -> memref<640x128xf32, #tpu.memory_space<hbm>>
      %dma_start3A_52 = arith.constant 0 : i32
      %dma_start3A_53 = tpu.memref_slice %arg10[%mul3A_47, %dma_start3A_52] : memref<10240x128xf32, #tpu.memory_space<vmem_shared>> -> memref<640x128xf32, #tpu.memory_space<vmem_shared>>
      tpu.enqueue_dma source(%dma_start3A_53 : memref<640x128xf32, #tpu.memory_space<vmem_shared>>) target(%dma_start3A_51 : memref<640x128xf32, #tpu.memory_space<hbm>>) target_semaphore(%run_scoped3A : memref<!tpu.dma_semaphore, #tpu.memory_space<semaphore_mem>>)
      %dma_wait3A = arith.constant 0 : i32
      %dma_wait3A_54 = tpu.memref_slice %arg5[%arg0, %mul3A_49, %dma_wait3A] : memref<2x10240x128xf32, #tpu.memory_space<hbm>> -> memref<1x640x128xf32, #tpu.memory_space<hbm>>
      %dma_wait3A_55 = tpu.memref_squeeze %dma_wait3A_54 : memref<1x640x128xf32, #tpu.memory_space<hbm>> -> memref<640x128xf32, #tpu.memory_space<hbm>>
      %dma_wait3A_56 = arith.constant 0 : i32
      %dma_wait3A_57 = tpu.memref_slice %arg10[%mul3A_47, %dma_wait3A_56] : memref<10240x128xf32, #tpu.memory_space<vmem_shared>> -> memref<640x128xf32, #tpu.memory_space<vmem_shared>>
      tpu.wait_dma2 semaphore(%run_scoped3A : memref<!tpu.dma_semaphore, #tpu.memory_space<semaphore_mem>>) src(%dma_wait3A_57 : memref<640x128xf32, #tpu.memory_space<vmem_shared>>) dst(%dma_wait3A_55 : memref<640x128xf32, #tpu.memory_space<hbm>>)
      tpu.yield
    }) : () -> ()
    return
  }
}

module attributes {stable_mosaic.version = 14 : i64} {
  func.func @_prep_body(%arg0: memref<10000x128xf32, #tpu.memory_space<vmem>>, %arg1: memref<128x1280xf32, #tpu.memory_space<vmem>>, %arg2: memref<1280x128xf32, #tpu.memory_space<vmem>>, %arg3: memref<1280x1xf32, #tpu.memory_space<vmem>>, %arg4: memref<10000x128xf32, #tpu.memory_space<vmem>>, %arg5: memref<1x128xf32, #tpu.memory_space<vmem>>) attributes {dimension_semantics = [], scalar_prefetch = 0 : i64, scratch_operands = 0 : i64, tpu.core_type = #tpu.core_type<tc>} {
    %get3A = arith.constant 0 : index
    %get3A_0 = arith.constant 0 : index
    %get3A_1 = vector.load %arg1[%get3A, %get3A_0] : memref<128x1280xf32, #tpu.memory_space<vmem>>, vector<128x1280xf32>
    %get3A_2 = arith.constant 0 : index
    %get3A_3 = arith.constant 0 : index
    %get3A_4 = vector.load %arg2[%get3A_2, %get3A_3] : memref<1280x128xf32, #tpu.memory_space<vmem>>, vector<1280x128xf32>
    %dot_general3A = arith.constant dense<0.000000e+00> : vector<128x128xf32>
    %dot_general3A_5 = tpu.matmul %get3A_1, %get3A_4, %dot_general3A {dimension_numbers = #tpu.dot_dimension_numbers<[1], [0], [0], [1], [0, 0, 1, 1], [], []>, transpose_lhs_hint = false} : vector<128x1280xf32>, vector<1280x128xf32>, vector<128x128xf32> -> vector<128x128xf32>
    %get3A_6 = arith.constant 0 : index
    %get3A_7 = arith.constant 0 : index
    %get3A_8 = vector.load %arg0[%get3A_6, %get3A_7] : memref<10000x128xf32, #tpu.memory_space<vmem>>, vector<10000x128xf32>
    %dot_general3A_9 = arith.constant dense<0.000000e+00> : vector<10000x128xf32>
    %dot_general3A_10 = tpu.matmul %get3A_8, %dot_general3A_5, %dot_general3A_9 {dimension_numbers = #tpu.dot_dimension_numbers<[1], [0], [0], [1], [0, 0, 1, 1], [], []>, transpose_lhs_hint = false} : vector<10000x128xf32>, vector<128x128xf32>, vector<10000x128xf32> -> vector<10000x128xf32>
    %swap3A = arith.constant 0 : index
    %swap3A_11 = arith.constant 0 : index
    %swap3A_12 = vector.load %arg4[%swap3A, %swap3A_11] : memref<10000x128xf32, #tpu.memory_space<vmem>>, vector<10000x128xf32>
    tpu.vector_store %arg4[%swap3A, %swap3A_11], %dot_general3A_10 {strides = array<i32>} : memref<10000x128xf32, #tpu.memory_space<vmem>>, vector<10000x128xf32>,
    %get3A_13 = arith.constant 0 : index
    %get3A_14 = arith.constant 0 : index
    %get3A_15 = vector.load %arg3[%get3A_13, %get3A_14] : memref<1280x1xf32, #tpu.memory_space<vmem>>, vector<1280x1xf32>
    %get3A_16 = arith.constant 0 : index
    %get3A_17 = arith.constant 0 : index
    %get3A_18 = vector.load %arg2[%get3A_16, %get3A_17] : memref<1280x128xf32, #tpu.memory_space<vmem>>, vector<1280x128xf32>
    %mul3A = vector.broadcast %get3A_15 : vector<1280x1xf32> to vector<1280x128xf32>
    %mul3A_19 = arith.mulf %mul3A, %get3A_18 : vector<1280x128xf32>
    %reduce_sum3A = arith.constant dense<0.000000e+00> : vector<128xf32>
    %reduce_sum3A_20 = vector.multi_reduction <add>, %mul3A_19, %reduce_sum3A [0] : vector<1280x128xf32> to vector<128xf32>
    %broadcast_in_dim3A = vector.shape_cast %reduce_sum3A_20 : vector<128xf32> to vector<1x128xf32>
    %swap3A_21 = arith.constant 0 : index
    %swap3A_22 = arith.constant 0 : index
    %swap3A_23 = vector.load %arg5[%swap3A_21, %swap3A_22] : memref<1x128xf32, #tpu.memory_space<vmem>>, vector<1x128xf32>
    tpu.vector_store %arg5[%swap3A_21, %swap3A_22], %broadcast_in_dim3A {strides = array<i32>} : memref<1x128xf32, #tpu.memory_space<vmem>>, vector<1x128xf32>,
    return
  }
}

module attributes {stable_mosaic.version = 14 : i64} {
  func.func @_combine_body(%arg0: memref<2x10240x128xf32, #tpu.memory_space<vmem>>, %arg1: memref<1x128xf32, #tpu.memory_space<vmem>>, %arg2: memref<10000x128xf32, #tpu.memory_space<vmem>>) attributes {dimension_semantics = [], scalar_prefetch = 0 : i64, scratch_operands = 0 : i64, tpu.core_type = #tpu.core_type<tc>} {
    %get3A = arith.constant 0 : index
    %get3A_0 = arith.constant 0 : index
    %get3A_1 = arith.constant 0 : index
    %get3A_2 = vector.load %arg0[%get3A, %get3A_0, %get3A_1] : memref<2x10240x128xf32, #tpu.memory_space<vmem>>, vector<1x10000x128xf32>
    %get3A_3 = vector.shape_cast %get3A_2 : vector<1x10000x128xf32> to vector<10000x128xf32>
    %get3A_4 = arith.constant 1 : index
    %get3A_5 = arith.constant 0 : index
    %get3A_6 = arith.constant 0 : index
    %get3A_7 = vector.load %arg0[%get3A_4, %get3A_5, %get3A_6] : memref<2x10240x128xf32, #tpu.memory_space<vmem>>, vector<1x10000x128xf32>
    %get3A_8 = vector.shape_cast %get3A_7 : vector<1x10000x128xf32> to vector<10000x128xf32>
    %add3A = arith.addf %get3A_3, %get3A_8 : vector<10000x128xf32>
    %get3A_9 = arith.constant 0 : index
    %get3A_10 = arith.constant 0 : index
    %get3A_11 = vector.load %arg1[%get3A_9, %get3A_10] : memref<1x128xf32, #tpu.memory_space<vmem>>, vector<1x128xf32>
    %add3A_12 = vector.broadcast %get3A_11 : vector<1x128xf32> to vector<10000x128xf32>
    %add3A_13 = arith.addf %add3A, %add3A_12 : vector<10000x128xf32>
    %swap3A = arith.constant 0 : index
    %swap3A_14 = arith.constant 0 : index
    %swap3A_15 = vector.load %arg2[%swap3A, %swap3A_14] : memref<10000x128xf32, #tpu.memory_space<vmem>>, vector<10000x128xf32>
    tpu.vector_store %arg2[%swap3A, %swap3A_14], %add3A_13 {strides = array<i32>} : memref<10000x128xf32, #tpu.memory_space<vmem>>, vector<10000x128xf32>,
    return
  }
}

module attributes {stable_mosaic.version = 14 : i64} {
  func.func @_combine_body(%arg0: memref<2x10240x128xf32, #tpu.memory_space<vmem>>, %arg1: memref<1x128xf32, #tpu.memory_space<vmem>>, %arg2: memref<10000x128xf32, #tpu.memory_space<vmem>>) attributes {dimension_semantics = [], scalar_prefetch = 0 : i64, scratch_operands = 0 : i64, tpu.core_type = #tpu.core_type<tc>} {
    %get3A = arith.constant 0 : index
    %get3A_0 = arith.constant 0 : index
    %get3A_1 = arith.constant 0 : index
    %get3A_2 = vector.load %arg0[%get3A, %get3A_0, %get3A_1] : memref<2x10240x128xf32, #tpu.memory_space<vmem>>, vector<1x10000x128xf32>
    %get3A_3 = vector.shape_cast %get3A_2 : vector<1x10000x128xf32> to vector<10000x128xf32>
    %get3A_4 = arith.constant 1 : index
    %get3A_5 = arith.constant 0 : index
    %get3A_6 = arith.constant 0 : index
    %get3A_7 = vector.load %arg0[%get3A_4, %get3A_5, %get3A_6] : memref<2x10240x128xf32, #tpu.memory_space<vmem>>, vector<1x10000x128xf32>
    %get3A_8 = vector.shape_cast %get3A_7 : vector<1x10000x128xf32> to vector<10000x128xf32>
    %add3A = arith.addf %get3A_3, %get3A_8 : vector<10000x128xf32>
    %get3A_9 = arith.constant 0 : index
    %get3A_10 = arith.constant 0 : index
    %get3A_11 = vector.load %arg1[%get3A_9, %get3A_10] : memref<1x128xf32, #tpu.memory_space<vmem>>, vector<1x128xf32>
    %add3A_12 = vector.broadcast %get3A_11 : vector<1x128xf32> to vector<10000x128xf32>
    %add3A_13 = arith.addf %add3A, %add3A_12 : vector<10000x128xf32>
    %swap3A = arith.constant 0 : index
    %swap3A_14 = arith.constant 0 : index
    %swap3A_15 = vector.load %arg2[%swap3A, %swap3A_14] : memref<10000x128xf32, #tpu.memory_space<vmem>>, vector<10000x128xf32>
    tpu.vector_store %arg2[%swap3A, %swap3A_14], %add3A_13 {strides = array<i32>} : memref<10000x128xf32, #tpu.memory_space<vmem>>, vector<10000x128xf32>,
    return
  }
}

</mosaic_0001>

<sc_bundles>
// kernel: kernel.10.cloned.1.call-start
scs
__scs_entry_jumppad:
0x0: {  	(pc) =	sbr.rel $0x88, $3  }
0x1: {  	(tag) =	ssettag $0x0;
	lr =	simm.s32 $0x1  }
0x2: {  	[smem:$0x3F9B] =	sst lr;
	_ =	strace $0xD0000000  }
0x3: {  	_ = 	snop  }
0x4: {  	_ = 	snop  }
0x5: {  	_ = 	snop  }
0x6: {  	_ = 	snop  }
0x7: {  	_ = 	snop  }
__scs_overlays_trampoline_lowered:
0x8: {  	[smem:$0x3FAA] =	sst s0  }
0x9: {  	[smem:$0x3FAB] =	sst s1  }
0xa: {  	[smem:$0x3FAC] =	sst s2  }
0xb: {  	[smem:$0x3FAD] =	sst s3  }
0xc: {  	[smem:$0x3FAE] =	sst s4  }
0xd: {  	[smem:$0x3FAF] =	sst s5  }
0xe: {  	[smem:$0x3FB0] =	sst s6  }
0xf: {  	[smem:$0x3FB1] =	sst s7  }
0x10: {  	[smem:$0x3FB2] =	sst s8  }
0x11: {  	[smem:$0x3FB3] =	sst s9;
	s0 =	simm.s32 @!p0 $0x0  }
0x12: {  	s1 =	sld [smem:$0x3F99];
	s0 =	simm.s32 @p0 $0x1  }
0x13: {  	[smem:$0x3FB4] =	sst s0;
	s0 =	simm.s32 @!p1 $0x0  }
0x14: {  	s2 =	sld [smem:$0x3F98];
	s0 =	simm.s32 @p1 $0x1  }
0x15: {  	[smem:$0x3FB5] =	sst s0;
	s0 =	simm.s32 @!p2 $0x0  }
0x16: {  	s3 =	sld [smem:$0x3FDB];
	s0 =	simm.s32 @p2 $0x1  }
0x17: {  	s4 =	simm.s32 $0x1BF5;
	[smem:$0x3FB7] =	sst s0  }
0x18: {  	s0 =	sld [smem:$0x3F9A];
	_ =	swait.ge [sflag:s4], $0x0  }
0x19: {  	s7 =	sld [smem:$0x3F9B]  }
0x1a: {  	s8 =	sadd.s32 $0xFFFFE003, lr  }
0x1b: {  	s9 =	sadd.s32 $0xFFFFFEF7, lr;
	s5 =	simm.s32 $0xFFFFFFFF;
	p2 =	slt.u32 s8, $0xFFFFF086  }
0x1c: {  	p1 =	slt.u32 s9, $0xF7A;
	s5 =	simm.s32 @!p2 $0x0  }
0x1d: {  	s5 =	simm.s32 @p1 $0x1;
	p0 =	seq.s32 s7, s2  }
0x1e: {  	s7 =	smul.u32 @!p0 $0xF7A, s2;
	p2 =	seq.s32 @!p0 s5, $0x0  }
0x1f: {  	s9 =	smul.u32 $0xF7A, s1;
	s8 =	simm.s32 @!p0 $0x1BF5;
	p2 =	por !p2, p0  }
0x20: {  	[sflag:s8] =	ssyncset.s32 @!p0 $0xFFFFF086;
	s6 =	sadd.s32 @!p0 s3, s7;
	s7 =	simm.s32 @!p0 $0x108  }
0x21: {  	s3 =	sadd.s32 s3, s9;
	s6 =	sadd.s32 @!p0 $0x88, s6;
	s7 =	simm.s32 @p2 $0x1082  }
0x22: {  	[simem:s7], [sflag:s8] =	dma.local @!p0 [hbm:s6], $0xF7A  }
0x23: {  	s9 =	sor.u32 $0xD0000000, s2;
	s6 =	simm.s32 $0x108;
	_ =	swait.ge @!p0 [sflag:s8], $0x0  }
0x24: {  	s3 =	sadd.s32 $0x88, s3;
	s6 =	simm.s32 @!p1 $0x1082;
	[sflag:s4] =	ssyncset.s32 $0xFFFFF086  }
0x25: {  	[simem:s6], [sflag:s4] =	dma.local [hbm:s3], $0xF7A  }
0x26: {  	[smem:$0x3F9B] =	sst s1;
	(tag) =	ssettag s2;
	_ =	strace s9  }
0x27: {  	s1 =	sld [smem:$0x3FAB]  }
0x28: {  	s2 =	sld [smem:$0x3FAC]  }
0x29: {  	s4 =	sld [smem:$0x3FAE]  }
0x2a: {  	p0 =	seq.s32 s5, $0x0;
	s5 =	sld [smem:$0x3FAF]  }
0x2b: {  	s6 =	sld [smem:$0x3FB0]  }
0x2c: {  	s7 =	sld [smem:$0x3FB1]  }
0x2d: {  	s3 =	simm.s32 $0x108;
	s8 =	sld [smem:$0x3FB2]  }
0x2e: {  	s3 =	simm.s32 @!p0 $0x1082;
	s9 =	sld [smem:$0x3FB3]  }
0x2f: {  	lr =	sadd.s32 s0, s3;
	s0 =	sld [smem:$0x3FAA]  }
0x30: {  	s3 =	sld [smem:$0x3FAD]  }
0x31: {  	[smem:$0x3FB6] =	sst s10  }
0x32: {  	s10 =	sld [smem:$0x3FB4];
	_ =	sdelay $0x3  }
0x33: {  	p0 =	seq.s32 s10, $0x1;
	s10 =	sld [smem:$0x3FB6];
	_ =	sdelay $0x3  }
0x34: {  	[smem:$0x3FB6] =	sst s10  }
0x35: {  	s10 =	sld [smem:$0x3FB5];
	_ =	sdelay $0x3  }
0x36: {  	p1 =	seq.s32 s10, $0x1;
	s10 =	sld [smem:$0x3FB6];
	_ =	sdelay $0x3  }
0x37: {  	[smem:$0x3FB6] =	sst s10  }
0x38: {  	s10 =	sld [smem:$0x3FB7]  }
0x39: {  	_ = 	snop;
	(pc) =	sbr.ind lr, $3  }
0x3a: {  	_ = 	snop  }
0x3b: {  	_ = 	snop  }
0x3c: {  	p2 =	seq.s32 s10, $0x1;
	s10 =	sld [smem:$0x3FB6]  }
0x3d: {  	_ =	shalt  }
0x3e: {  	_ =	shalt  }
0x3f: {  	_ =	shalt  }
0x40: {  	_ =	shalt  }
0x41: {  	_ =	shalt  }
0x42: {  	_ =	shalt  }
0x43: {  	_ =	shalt  }
0x44: {  	_ =	shalt  }
0x45: {  	_ =	shalt  }
0x46: {  	_ =	shalt  }
0x47: {  	_ =	shalt  }
0x48: {  	_ =	shalt  }
0x49: {  	_ =	shalt  }
0x4a: {  	_ =	shalt  }
0x4b: {  	_ =	shalt  }
0x4c: {  	_ =	shalt  }
0x4d: {  	_ =	shalt  }
0x4e: {  	_ =	shalt  }
0x4f: {  	_ =	shalt  }
0x50: {  	_ =	shalt  }
0x51: {  	_ =	shalt  }
0x52: {  	_ =	shalt  }
0x53: {  	_ =	shalt  }
0x54: {  	_ =	shalt  }
0x55: {  	_ =	shalt  }
0x56: {  	_ =	shalt  }
0x57: {  	_ =	shalt  }
0x58: {  	_ =	shalt  }
0x59: {  	_ =	shalt  }
0x5a: {  	_ =	shalt  }
0x5b: {  	_ =	shalt  }
0x5c: {  	_ =	shalt  }
0x5d: {  	_ =	shalt  }
0x5e: {  	_ =	shalt  }
0x5f: {  	_ =	shalt  }
0x60: {  	_ =	shalt  }
0x61: {  	_ =	shalt  }
0x62: {  	_ =	shalt  }
0x63: {  	_ =	shalt  }
0x64: {  	_ =	shalt  }
0x65: {  	_ =	shalt  }
0x66: {  	_ =	shalt  }
0x67: {  	_ =	shalt  }
0x68: {  	_ =	shalt  }
0x69: {  	_ =	shalt  }
0x6a: {  	_ =	shalt  }
0x6b: {  	_ =	shalt  }
0x6c: {  	_ =	shalt  }
0x6d: {  	_ =	shalt  }
0x6e: {  	_ =	shalt  }
0x6f: {  	_ =	shalt  }
0x70: {  	_ =	shalt  }
0x71: {  	_ =	shalt  }
0x72: {  	_ =	shalt  }
0x73: {  	_ =	shalt  }
0x74: {  	_ =	shalt  }
0x75: {  	_ =	shalt  }
0x76: {  	_ =	shalt  }
0x77: {  	_ =	shalt  }
0x78: {  	_ =	shalt  }
0x79: {  	_ =	shalt  }
0x7a: {  	_ =	shalt  }
0x7b: {  	_ =	shalt  }
0x7c: {  	_ =	shalt  }
0x7d: {  	_ =	shalt  }
0x7e: {  	_ =	shalt  }
0x7f: {  	_ =	shalt  }
0x80: {  	_ =	shalt  }
0x81: {  	_ =	shalt  }
0x82: {  	_ =	shalt  }
0x83: {  	_ =	shalt  }
0x84: {  	_ =	shalt  }
0x85: {  	_ =	shalt  }
0x86: {  	_ =	shalt  }
0x87: {  	_ =	shalt  }
.Lfunc_end0:
.L_simem_size_0:
called_computation.1_lowered:
.L_overlay_start_0:
0x88: {  	s2 =	sld [smem:$0x3FD9]  }
0x89: {  	s3 =	sld [smem:$0x3FFE];
	_ =	sdelay $0x1  }
0x8a: {  	s1 =	srdreg.scid  }
0x8b: {  	s0 =	sand.u32 $0x1, s1  }
0x8c: {  	s17 =	sshll.u32 s0, $0xA;
	s2 =	sadd.s32 s3, s2  }
0x8d: {  	s2 =	sadd.s32 s2, s17  }
0x8e: {  	[smem:$0x3FC2] =	sst s2  }
0x8f: {  	_ = 	snop  }
0x90: {  	s2 =	sld [smem:$0x3FD0];
	(tm) =	ssettm $0x1  }
0x91: {  	s18 =	sld [smem:$0x3FFB];
	_ =	sdelay $0x3  }
0x92: {  	_ =	strace s18  }
0x93: {  	s3 =	sld [smem:$0x3FFC];
	_ =	sdelay $0x3  }
0x94: {  	_ =	strace s3  }
0x95: {  	s3 =	sld [smem:$0x3FFD];
	_ =	sdelay $0x3  }
0x96: {  	_ =	strace s3  }
0x97: {  	_ =	strace $0x8FFFFFFF  }
0x98: {  	s19 =	sld [smem:$0x3FDB];
	_ =	sdelay $0x1  }
0x99: {  	s4 =	simm.s32 $_scs_section_size  }
0x9a: {  	s5 =	simm.s32 $_size__tile_overlayer_lowered;
	s6 =	simm.s32 $_tile_overlayer_lowered  }
0x9b: {  	s22 =	simm.s32 $0x1BFF;
	s21 =	sshll.u32 s6, $0x1;
	s3 =	sadd.s32 s4, s19  }
0x9c: {  	s7 =	simm.s32 $0x0;
	s20 =	sshll.u32 s5, $0x1;
	s5 =	sadd.s32 s21, s3  }
0x9d: {  	[timem:s7], [sflag:s22] =	dma.local [hbm:s5], s20  }
0x9e: {  	_ =	swait.ge [sflag:s22], s20  }
0x9f: {  	s4 =	ssub.s32 $0x0, s20;
	[sflag:s22] =	ssyncset.done $0x0  }
0xa0: {  	[sflag:s22] =	ssyncadd.s32 s4;
	_ =	sdelay $0x1  }
0xa1: {  	s23 =	simm.s32 $0x1B8B  }
0xa2: {  	_ =	swait.ge [sflag:s23], $0x1  }
0xa3: {  	[sflag:s23] =	ssyncset.done $0x0  }
0xa4: {  	s25 =	simm.s32 $0x1B8E;
	s24 =	sld [smem:$0x3FFE];
	[sflag:s23] =	ssyncadd.s32 $0xFFFFFFFF  }
0xa5: {  	s26 =	simm.s32 $execute0_lowered;
	[smem:$0x3FD2] =	sst s25  }
0xa6: {  	s5 =	sshll.u32 s26, $0x1;
	_ =	strace $0x80000049;
	[dreg:$0x1] =	wrdreg $0xFFFFFFFF  }
0xa7: {  	s28 =	simm.s32 $_size_execute0_lowered;
	s3 =	sadd.s32 s3, s5;
	[dreg:$0x0] =	wrdreg $0x0  }
0xa8: {  	s5 =	sshll.u32 s28, $0x1;
	[dreg:$0x2] =	wrdreg s3  }
0xa9: {  	[dreg:$0x3] =	wrdreg s5  }
0xaa: {  	[dreg:$0x4] =	wrdreg $0xC0  }
0xab: {  	_ =	task [dreg:s7], $0x5FFFF  }
0xac: {  	[dreg:$0x1] =	wrdreg $0xFFFFFFFF  }
0xad: {  	[dreg:$0x0] =	wrdreg $0x60  }
0xae: {  	[dreg:$0x2] =	wrdreg s2  }
0xaf: {  	[dreg:$0x3] =	wrdreg s24  }
0xb0: {  	[dreg:$0x4] =	wrdreg $0xA8000  }
0xb1: {  	[dreg:$0x5] =	wrdreg $0x9  }
0xb2: {  	_ =	task.clear_ibuf [dreg:s7], $0x6FFFF;
	_ =	strace $0x90000049  }
0xb3: {  	s29 =	simm.s32 $0x9;
	_ =	strace $0x8000004B  }
0xb4: {  	_ =	swait.ge [sflag:s29], $0x1  }
0xb5: {  	[sflag:s29] =	ssyncadd.s32 $0xFFFFFFFF  }
0xb6: {  	_ =	strace $0x9000004B  }
0xb7: {  	_ =	sfence  }
0xb8: {  	s30 =	sld [smem:$0x0];
	_ =	sdelay $0x2  }
0xb9: {  	s31 =	sshll.u32 s1, $0xD;
	s1 =	sshrl.u32 s1, $0x2  }
0xba: {  	s3 =	sand.u32 $0x4000, s31;
	s1 =	sadd.s32 s1, s30  }
0xbb: {  	s0 =	sor.u32 s3, s0;
	s1 =	sshll.u32 s1, $0x11  }
0xbc: {  	s0 =	sor.u32 s1, s0  }
0xbd: {  	s0 =	sadd.s32 $0x8F2B, s0  }
0xbe: {  	[sflag:s0] =	ssyncadd.remote.s32 $0x1  }
0xbf: {  	_ =	sfence.sel $0xFFFF  }
0xc0: {  	[dreg:$0x0] =	wrdreg $0xFFFFFFFF;
	(pc) =	sbr.abs _section_cstart, $3  }
0xc1: {  	[dreg:$0x1] =	wrdreg $0xFFFFFFFF  }
0xc2: {  	_ =	task.clear_ibuf [dreg:s7], $0x2FFFF;
	_ =	strace $0x9FFFFFFF  }
0xc3: {  	(tm) =	ssettm $0x7FFFFFFF  }
tec
execute0_lowered:
.L_overlay_start_1:
0x0: {  	(tag) =	ssettag $0x1  }
0x1: {  	s1 =	rddreg [dreg:$0x0]  }
0x2: {  	s6 =	rddreg [dreg:$0x1]  }
0x3: {  	s2 =	rddreg [dreg:$0x2]  }
0x4: {  	s3 =	srdreg.scid;
	s0 =	rddreg [dreg:$0x3]  }
0x5: {  	s4 =	simm.s32 $0x0;
	s17 =	simm.s32 $0x8000;
	s18 =	simm.s32 $0x2  }
0x6: {  	s19 =	simm.s32 $0x4000;
	s20 =	simm.s32 $0x50;
	s5 =	sand.u32 $0x1, s3  }
0x7: {  	s21 =	simm.s32 $0x1;
	s3 =	stileid.u32;
	s7 =	smul.u32 $0x140000, s5  }
0x8: {  	[smem:$0x7FF] =	sst s4;
	s8 =	sshll.u32 s3, $0xC;
	s10 =	smul.u32 $0x14000, s3  }
0x9: {  	s9 =	sshll.u32 s5, $0xB;
	s28 =	smul.u32 $0x50000, s3;
	s29 =	ssub.s32 $0x2, s5  }
0xa: {  	_ =	strace $0x8000004A;
	s8 =	sor.u32 s9, s8;
	s31 =	sshrl.u32 s29, $0x1  }
0xb: {  	s14 =	sadd.s32 s8, s6;
	s7 =	sadd.s32 s10, s7;
	s30 =	sshrl.u32 s28, $0x2  }
0xc: {  	s16 =	ssub.s32 s29, s31;
	s7 =	sshrl.u32 s7, $0x3;
	s5 =	sadd.s32 s30, s2  }
0xd: {  	s13 =	sadd.s32 $0x11800, s14;
	s14 =	sadd.s32 $0x1800, s14;
	s16 =	smax.u32 s16, $0x1  }
0xe: {  	s15 =	sadd.s32 s7, s6;
	s6 =	sadd.s32 $0x2800, s5;
	s7 =	sadd.s32 $0x5000, s5  }
0xf: {  	s8 =	sadd.s32 $0x7800, s5;
	s9 =	sadd.s32 $0xA000, s5;
	s10 =	sadd.s32 $0xC800, s5  }
0x10: {  	v0 =	vimm.f32 $0.0e+00;
	s11 =	sadd.s32 $0xF000, s5;
	s12 =	sadd.s32 $0x11800, s5;
	s15 =	sadd.s32 $0x21800, s15  }
.LBB2_1:
0x11: {  	s22 =	simm.s32 $0x0;
	s23 =	simm.s32 $0x200  }
.LBB2_2:
0x12: {  	p0 =	sne.s32 s23, $0x9E00;
	[tilespmem:s22+$0x8070] =	vst v0  }
0x13: {  	[tilespmem:s22+$0x8000] =	vst v0  }
0x14: {  	[tilespmem:s22+$0x8010] =	vst v0  }
.Ltmp0:
0x15: {  	[tilespmem:s22+$0x8020] =	vst v0;
	(pc) =	sbr.rel @p0 .LBB2_2-.Ltmp0, $4  }
0x16: {  	[tilespmem:s22+$0x8030] =	vst v0  }
0x17: {  	[tilespmem:s22+$0x8040] =	vst v0  }
0x18: {  	[tilespmem:s22+$0x8050] =	vst v0  }
0x19: {  	[tilespmem:s22+$0x8060] =	vst v0;
	s22 =	sshra.s32 s23, $0x2;
	s23 =	sadd.s32 $0x200, s23  }
0x1a: {  	[tilespmem:s22+$0x8070] =	vst v0  }
0x1b: {  	[tilespmem:s22+$0x8000] =	vst v0  }
0x1c: {  	[tilespmem:s22+$0x8010] =	vst v0  }
0x1d: {  	[tilespmem:s22+$0x8020] =	vst v0  }
0x1e: {  	[tilespmem:s22+$0x8030] =	vst v0  }
0x1f: {  	[tilespmem:s22+$0x8040] =	vst v0  }
0x20: {  	[tilespmem:s22+$0x8050] =	vst v0  }
0x21: {  	[tilespmem:s22+$0x8060] =	vst v0  }
0x22: {  	[spmem:s5] =	stream.linear.scatter [tilespmem:s17], [sflag:$0x2], $0x2800, $0x38;
	[tilespmem:$0x1E800] =	vst v63  }
0x23: {  	_ =	swait.ge [sflag:s18], $0x2800  }
0x24: {  	[sflag:s18] =	ssyncset.done $0x0  }
0x25: {  	[sflag:s18] =	ssyncadd.s32 $0xFFFFD800  }
0x26: {  	[spmem:s6] =	stream.linear.scatter [tilespmem:s17], [sflag:$0x2], $0x2800, $0x38;
	[tilespmem:$0x1E800] =	vst v63  }
0x27: {  	_ =	swait.ge [sflag:s18], $0x2800  }
0x28: {  	[sflag:s18] =	ssyncset.done $0x0  }
0x29: {  	[sflag:s18] =	ssyncadd.s32 $0xFFFFD800  }
0x2a: {  	[spmem:s7] =	stream.linear.scatter [tilespmem:s17], [sflag:$0x2], $0x2800, $0x38;
	[tilespmem:$0x1E800] =	vst v63  }
0x2b: {  	_ =	swait.ge [sflag:s18], $0x2800  }
0x2c: {  	[sflag:s18] =	ssyncset.done $0x0  }
0x2d: {  	[sflag:s18] =	ssyncadd.s32 $0xFFFFD800  }
0x2e: {  	[spmem:s8] =	stream.linear.scatter [tilespmem:s17], [sflag:$0x2], $0x2800, $0x38;
	[tilespmem:$0x1E800] =	vst v63  }
0x2f: {  	_ =	swait.ge [sflag:s18], $0x2800  }
0x30: {  	[sflag:s18] =	ssyncset.done $0x0  }
0x31: {  	[sflag:s18] =	ssyncadd.s32 $0xFFFFD800  }
0x32: {  	[spmem:s9] =	stream.linear.scatter [tilespmem:s17], [sflag:$0x2], $0x2800, $0x38;
	[tilespmem:$0x1E800] =	vst v63  }
0x33: {  	_ =	swait.ge [sflag:s18], $0x2800  }
0x34: {  	[sflag:s18] =	ssyncset.done $0x0  }
0x35: {  	[sflag:s18] =	ssyncadd.s32 $0xFFFFD800  }
0x36: {  	[spmem:s10] =	stream.linear.scatter [tilespmem:s17], [sflag:$0x2], $0x2800, $0x38;
	[tilespmem:$0x1E800] =	vst v63  }
0x37: {  	_ =	swait.ge [sflag:s18], $0x2800  }
0x38: {  	[sflag:s18] =	ssyncset.done $0x0  }
0x39: {  	[sflag:s18] =	ssyncadd.s32 $0xFFFFD800  }
0x3a: {  	[spmem:s11] =	stream.linear.scatter [tilespmem:s17], [sflag:$0x2], $0x2800, $0x38;
	[tilespmem:$0x1E800] =	vst v63  }
0x3b: {  	_ =	swait.ge [sflag:s18], $0x2800  }
0x3c: {  	[sflag:s18] =	ssyncset.done $0x0  }
0x3d: {  	[sflag:s18] =	ssyncadd.s32 $0xFFFFD800  }
0x3e: {  	[spmem:s12] =	stream.linear.scatter [tilespmem:s17], [sflag:$0x2], $0x2800, $0x38;
	[tilespmem:$0x1E800] =	vst v63  }
0x3f: {  	_ =	swait.ge [sflag:s18], $0x2800  }
0x40: {  	[sflag:s18] =	ssyncset.done $0x0  }
0x41: {  	[sflag:s18] =	ssyncadd.s32 $0xFFFFD800  }
0x42: {  	s29 =	simm.s32 $0x0;
	[bflag:$0x0] =	sbarrier.arrive $0xFFFF  }
0x43: {  	[tilespmem:s29], [sflag:$0x2] =	stream.linear.gather [hbm4b:s13+s29], $0x4000, $0x38;
	[tilespmem:$0x1E800] =	vst v63  }
0x44: {  	_ =	swait.ge [sflag:s18], $0x4000  }
0x45: {  	[sflag:s18] =	ssyncset.done $0x0  }
0x46: {  	[sflag:s18] =	ssyncadd.s32 $0xFFFFC000  }
0x47: {  	[tilespmem:s19], [sflag:$0x2] =	stream.linear.gather [hbm4b:s14+s29], $0x4000, $0x38;
	[tilespmem:$0x1E800] =	vst v63  }
0x48: {  	_ =	swait.ge [sflag:s18], $0x4000  }
0x49: {  	[sflag:s18] =	ssyncset.done $0x0  }
0x4a: {  	s30 =	simm.s32 $0x0;
	[sflag:s18] =	ssyncadd.s32 $0xFFFFC000  }
0x4b: {  	[tilespmem:s17], [sflag:$0x1] =	stream.indirect.gather [hbm4b:s1+s20], $0x80, s30, s20, $0xb8;
	[tilespmem:$0x1E800] =	vst v63  }
0x4c: {  	_ =	swait.ge [sflag:s21], $0x2800  }
0x4d: {  	[sflag:s21] =	ssyncset.done $0x0  }
0x4e: {  	s31 =	simm.s32 $0x4000;
	[sflag:s21] =	ssyncadd.s32 $0xFFFFD800  }
0x4f: {  	[spmem:s2] =	stream.indirect.scatter.add.f32 [tilespmem:s17], [sflag:$0x2], $0x80, s31, s20, $0xb8;
	[tilespmem:$0x1E800] =	vst v63  }
0x50: {  	_ =	swait.ge [sflag:s18], $0x2800  }
0x51: {  	s22 =	simm.s32 $0x200;
	s23 =	simm.s32 $0x400;
	[sflag:s18] =	ssyncset.done $0x0  }
.LBB2_4:
0x52: {  	s24 =	sshra.s32 s22, $0x2  }
0x53: {  	[sflag:s18] =	ssyncadd.s32 $0xFFFFD800;
	s22 =	smov.u32 s23;
	s25 =	sadd.s32 $0x200, s23  }
0x54: {  	[tilespmem:s17], [sflag:$0x1] =	stream.indirect.gather [hbm4b:s1+s20], $0x80, s24, s20, $0xb8;
	[tilespmem:$0x1E800] =	vst v63  }
0x55: {  	p0 =	sne.s32 s23, $0xFE00;
	_ =	swait.ge [sflag:s21], $0x2800  }
.Ltmp1:
0x56: {  	[sflag:s21] =	ssyncset.done $0x0;
	(pc) =	sbr.rel @p0 .LBB2_4-.Ltmp1, $4  }
0x57: {  	s23 =	sadd.s32 $0x4000, s24;
	[sflag:s21] =	ssyncadd.s32 $0xFFFFD800  }
0x58: {  	[spmem:s2] =	stream.indirect.scatter.add.f32 [tilespmem:s17], [sflag:$0x2], $0x80, s23, s20, $0xb8;
	[tilespmem:$0x1E800] =	vst v63  }
0x59: {  	_ =	swait.ge [sflag:s18], $0x2800  }
0x5a: {  	s23 =	smov.u32 s25;
	[sflag:s18] =	ssyncset.done $0x0  }
0x5b: {  	s22 =	sshra.s32 s22, $0x2;
	[sflag:s18] =	ssyncadd.s32 $0xFFFFD800  }
0x5c: {  	[tilespmem:s17], [sflag:$0x1] =	stream.indirect.gather [hbm4b:s1+s20], $0x80, s22, s20, $0xb8;
	[tilespmem:$0x1E800] =	vst v63  }
0x5d: {  	_ =	swait.ge [sflag:s21], $0x2800  }
0x5e: {  	[sflag:s21] =	ssyncset.done $0x0  }
0x5f: {  	s22 =	sadd.s32 $0x4000, s22;
	[sflag:s21] =	ssyncadd.s32 $0xFFFFD800  }
0x60: {  	[spmem:s2] =	stream.indirect.scatter.add.f32 [tilespmem:s17], [sflag:$0x2], $0x80, s22, s20, $0xb8;
	[tilespmem:$0x1E800] =	vst v63  }
0x61: {  	_ =	swait.ge [sflag:s18], $0x2800  }
0x62: {  	s31 =	sshll.u32 s3, $0x6;
	s4 =	sadd.s32 $0x1, s4;
	[sflag:s18] =	ssyncset.done $0x0  }
0x63: {  	s23 =	sshrl.u32 s5, $0x3;
	p0 =	sne.s32 s4, s16;
	[sflag:s18] =	ssyncadd.s32 $0xFFFFD800  }
.Ltmp2:
0x64: {  	s22 =	sor.u32 $0x1C02, s31;
	[bflag:$0x0] =	sbarrier.arrive $0xFFFF;
	(pc) =	sbr.rel @p0 .LBB2_1-.Ltmp2, $4  }
0x65: {  	[hbm:s15], [sflag:s22] =	dma.local [spmem:s23], $0x2800  }
0x66: {  	_ =	swait.ge [sflag:s18], $0x2800  }
0x67: {  	[sflag:s18] =	ssyncset.done $0x0  }
0x68: {  	[sflag:s18] =	ssyncadd.s32 $0xFFFFD800  }
0x69: {  	_ =	sfence.sel $0x180000  }
0x6a: {  	[bflag:$0x0] =	sbarrier.arrive $0xFFFF  }
0x6b: {  	p0 =	sne.s32 s3, $0x0;
	_ =	strace $0x9000004A  }
0x6c: {  	s0 =	sadd.s32 @!p0 $0x100000, s0;
	[bflag:$0x2] =	sbarrier.arrive $0xFFFF  }
0x6d: {  	[sflag:s0] =	ssyncadd.tile.s32 @!p0 $0x1;
	_ =	shalt  }
.Lfunc_end2:
_tile_overlayer_lowered:
.L_overlay_start_2:
0x6e: {  	(tag) =	ssettag $0x2  }
0x6f: {  	s0 =	rddreg [dreg:$0x0];
	s2 =	stileid.u32  }
0x70: {  	s1 =	rddreg [dreg:$0x1];
	p0 =	sne.s32 s2, $0x0  }
0x71: {  	s3 =	rddreg [dreg:$0x2];
	[bflag:$0x3] =	sbarrier.arrive $0xFFFF;
	s2 =	simm.s32 @!p0 $0x1C02  }
0x72: {  	[timem:s3], [sflag:s2] =	dma.local @!p0 [hbm:s0], s1  }
0x73: {  	s0 =	simm.s32 @!p0 $0x2  }
0x74: {  	_ =	swait.ge @!p0 [sflag:s0], s1  }
0x75: {  	s1 =	ssub.s32 @!p0 $0x0, s1;
	[sflag:s0] =	ssyncset.done @!p0 $0x0  }
0x76: {  	[sflag:s0] =	ssyncadd.s32 @!p0 s1  }
0x77: {  	[bflag:$0x3] =	sbarrier.arrive $0xFFFF  }
0x78: {  	_ =	shalt  }

// kernel: kernel.7.cloned.1.call-start
scs
__scs_entry_jumppad:
0x0: {  	(pc) =	sbr.rel $0x88, $3  }
0x1: {  	(tag) =	ssettag $0x0;
	lr =	simm.s32 $0x1  }
0x2: {  	[smem:$0x3F9B] =	sst lr;
	_ =	strace $0xD0000000  }
0x3: {  	_ = 	snop  }
0x4: {  	_ = 	snop  }
0x5: {  	_ = 	snop  }
0x6: {  	_ = 	snop  }
0x7: {  	_ = 	snop  }
__scs_overlays_trampoline_lowered:
0x8: {  	[smem:$0x3FAA] =	sst s0  }
0x9: {  	[smem:$0x3FAB] =	sst s1  }
0xa: {  	[smem:$0x3FAC] =	sst s2  }
0xb: {  	[smem:$0x3FAD] =	sst s3  }
0xc: {  	[smem:$0x3FAE] =	sst s4  }
0xd: {  	[smem:$0x3FAF] =	sst s5  }
0xe: {  	[smem:$0x3FB0] =	sst s6  }
0xf: {  	[smem:$0x3FB1] =	sst s7  }
0x10: {  	[smem:$0x3FB2] =	sst s8  }
0x11: {  	[smem:$0x3FB3] =	sst s9;
	s0 =	simm.s32 @!p0 $0x0  }
0x12: {  	s1 =	sld [smem:$0x3F99];
	s0 =	simm.s32 @p0 $0x1  }
0x13: {  	[smem:$0x3FB4] =	sst s0;
	s0 =	simm.s32 @!p1 $0x0  }
0x14: {  	s2 =	sld [smem:$0x3F98];
	s0 =	simm.s32 @p1 $0x1  }
0x15: {  	[smem:$0x3FB5] =	sst s0;
	s0 =	simm.s32 @!p2 $0x0  }
0x16: {  	s3 =	sld [smem:$0x3FDB];
	s0 =	simm.s32 @p2 $0x1  }
0x17: {  	s4 =	simm.s32 $0x1BF5;
	[smem:$0x3FB7] =	sst s0  }
0x18: {  	s0 =	sld [smem:$0x3F9A];
	_ =	swait.ge [sflag:s4], $0x0  }
0x19: {  	s7 =	sld [smem:$0x3F9B]  }
0x1a: {  	s8 =	sadd.s32 $0xFFFFE003, lr  }
0x1b: {  	s9 =	sadd.s32 $0xFFFFFEF7, lr;
	s5 =	simm.s32 $0xFFFFFFFF;
	p2 =	slt.u32 s8, $0xFFFFF086  }
0x1c: {  	p1 =	slt.u32 s9, $0xF7A;
	s5 =	simm.s32 @!p2 $0x0  }
0x1d: {  	s5 =	simm.s32 @p1 $0x1;
	p0 =	seq.s32 s7, s2  }
0x1e: {  	s7 =	smul.u32 @!p0 $0xF7A, s2;
	p2 =	seq.s32 @!p0 s5, $0x0  }
0x1f: {  	s9 =	smul.u32 $0xF7A, s1;
	s8 =	simm.s32 @!p0 $0x1BF5;
	p2 =	por !p2, p0  }
0x20: {  	[sflag:s8] =	ssyncset.s32 @!p0 $0xFFFFF086;
	s6 =	sadd.s32 @!p0 s3, s7;
	s7 =	simm.s32 @!p0 $0x108  }
0x21: {  	s3 =	sadd.s32 s3, s9;
	s6 =	sadd.s32 @!p0 $0x88, s6;
	s7 =	simm.s32 @p2 $0x1082  }
0x22: {  	[simem:s7], [sflag:s8] =	dma.local @!p0 [hbm:s6], $0xF7A  }
0x23: {  	s9 =	sor.u32 $0xD0000000, s2;
	s6 =	simm.s32 $0x108;
	_ =	swait.ge @!p0 [sflag:s8], $0x0  }
0x24: {  	s3 =	sadd.s32 $0x88, s3;
	s6 =	simm.s32 @!p1 $0x1082;
	[sflag:s4] =	ssyncset.s32 $0xFFFFF086  }
0x25: {  	[simem:s6], [sflag:s4] =	dma.local [hbm:s3], $0xF7A  }
0x26: {  	[smem:$0x3F9B] =	sst s1;
	(tag) =	ssettag s2;
	_ =	strace s9  }
0x27: {  	s1 =	sld [smem:$0x3FAB]  }
0x28: {  	s2 =	sld [smem:$0x3FAC]  }
0x29: {  	s4 =	sld [smem:$0x3FAE]  }
0x2a: {  	p0 =	seq.s32 s5, $0x0;
	s5 =	sld [smem:$0x3FAF]  }
0x2b: {  	s6 =	sld [smem:$0x3FB0]  }
0x2c: {  	s7 =	sld [smem:$0x3FB1]  }
0x2d: {  	s3 =	simm.s32 $0x108;
	s8 =	sld [smem:$0x3FB2]  }
0x2e: {  	s3 =	simm.s32 @!p0 $0x1082;
	s9 =	sld [smem:$0x3FB3]  }
0x2f: {  	lr =	sadd.s32 s0, s3;
	s0 =	sld [smem:$0x3FAA]  }
0x30: {  	s3 =	sld [smem:$0x3FAD]  }
0x31: {  	[smem:$0x3FB6] =	sst s10  }
0x32: {  	s10 =	sld [smem:$0x3FB4];
	_ =	sdelay $0x3  }
0x33: {  	p0 =	seq.s32 s10, $0x1;
	s10 =	sld [smem:$0x3FB6];
	_ =	sdelay $0x3  }
0x34: {  	[smem:$0x3FB6] =	sst s10  }
0x35: {  	s10 =	sld [smem:$0x3FB5];
	_ =	sdelay $0x3  }
0x36: {  	p1 =	seq.s32 s10, $0x1;
	s10 =	sld [smem:$0x3FB6];
	_ =	sdelay $0x3  }
0x37: {  	[smem:$0x3FB6] =	sst s10  }
0x38: {  	s10 =	sld [smem:$0x3FB7]  }
0x39: {  	_ = 	snop;
	(pc) =	sbr.ind lr, $3  }
0x3a: {  	_ = 	snop  }
0x3b: {  	_ = 	snop  }
0x3c: {  	p2 =	seq.s32 s10, $0x1;
	s10 =	sld [smem:$0x3FB6]  }
0x3d: {  	_ =	shalt  }
0x3e: {  	_ =	shalt  }
0x3f: {  	_ =	shalt  }
0x40: {  	_ =	shalt  }
0x41: {  	_ =	shalt  }
0x42: {  	_ =	shalt  }
0x43: {  	_ =	shalt  }
0x44: {  	_ =	shalt  }
0x45: {  	_ =	shalt  }
0x46: {  	_ =	shalt  }
0x47: {  	_ =	shalt  }
0x48: {  	_ =	shalt  }
0x49: {  	_ =	shalt  }
0x4a: {  	_ =	shalt  }
0x4b: {  	_ =	shalt  }
0x4c: {  	_ =	shalt  }
0x4d: {  	_ =	shalt  }
0x4e: {  	_ =	shalt  }
0x4f: {  	_ =	shalt  }
0x50: {  	_ =	shalt  }
0x51: {  	_ =	shalt  }
0x52: {  	_ =	shalt  }
0x53: {  	_ =	shalt  }
0x54: {  	_ =	shalt  }
0x55: {  	_ =	shalt  }
0x56: {  	_ =	shalt  }
0x57: {  	_ =	shalt  }
0x58: {  	_ =	shalt  }
0x59: {  	_ =	shalt  }
0x5a: {  	_ =	shalt  }
0x5b: {  	_ =	shalt  }
0x5c: {  	_ =	shalt  }
0x5d: {  	_ =	shalt  }
0x5e: {  	_ =	shalt  }
0x5f: {  	_ =	shalt  }
0x60: {  	_ =	shalt  }
0x61: {  	_ =	shalt  }
0x62: {  	_ =	shalt  }
0x63: {  	_ =	shalt  }
0x64: {  	_ =	shalt  }
0x65: {  	_ =	shalt  }
0x66: {  	_ =	shalt  }
0x67: {  	_ =	shalt  }
0x68: {  	_ =	shalt  }
0x69: {  	_ =	shalt  }
0x6a: {  	_ =	shalt  }
0x6b: {  	_ =	shalt  }
0x6c: {  	_ =	shalt  }
0x6d: {  	_ =	shalt  }
0x6e: {  	_ =	shalt  }
0x6f: {  	_ =	shalt  }
0x70: {  	_ =	shalt  }
0x71: {  	_ =	shalt  }
0x72: {  	_ =	shalt  }
0x73: {  	_ =	shalt  }
0x74: {  	_ =	shalt  }
0x75: {  	_ =	shalt  }
0x76: {  	_ =	shalt  }
0x77: {  	_ =	shalt  }
0x78: {  	_ =	shalt  }
0x79: {  	_ =	shalt  }
0x7a: {  	_ =	shalt  }
0x7b: {  	_ =	shalt  }
0x7c: {  	_ =	shalt  }
0x7d: {  	_ =	shalt  }
0x7e: {  	_ =	shalt  }
0x7f: {  	_ =	shalt  }
0x80: {  	_ =	shalt  }
0x81: {  	_ =	shalt  }
0x82: {  	_ =	shalt  }
0x83: {  	_ =	shalt  }
0x84: {  	_ =	shalt  }
0x85: {  	_ =	shalt  }
0x86: {  	_ =	shalt  }
0x87: {  	_ =	shalt  }
.Lfunc_end0:
.L_simem_size_0:
called_computation_lowered:
.L_overlay_start_0:
0x88: {  	s2 =	sld [smem:$0x3FD9]  }
0x89: {  	s3 =	sld [smem:$0x3FFE];
	_ =	sdelay $0x1  }
0x8a: {  	s1 =	srdreg.scid  }
0x8b: {  	s0 =	sand.u32 $0x1, s1  }
0x8c: {  	s17 =	sshll.u32 s0, $0xA;
	s2 =	sadd.s32 s3, s2  }
0x8d: {  	s2 =	sadd.s32 s2, s17  }
0x8e: {  	[smem:$0x3FC2] =	sst s2  }
0x8f: {  	_ = 	snop  }
0x90: {  	s2 =	sld [smem:$0x3FD0];
	(tm) =	ssettm $0x1  }
0x91: {  	s18 =	sld [smem:$0x3FFB];
	_ =	sdelay $0x3  }
0x92: {  	_ =	strace s18  }
0x93: {  	s3 =	sld [smem:$0x3FFC];
	_ =	sdelay $0x3  }
0x94: {  	_ =	strace s3  }
0x95: {  	s3 =	sld [smem:$0x3FFD];
	_ =	sdelay $0x3  }
0x96: {  	_ =	strace s3  }
0x97: {  	_ =	strace $0x8FFFFFFF  }
0x98: {  	s19 =	sld [smem:$0x3FDB];
	_ =	sdelay $0x1  }
0x99: {  	s4 =	simm.s32 $_scs_section_size  }
0x9a: {  	s5 =	simm.s32 $_size__tile_overlayer_lowered;
	s6 =	simm.s32 $_tile_overlayer_lowered  }
0x9b: {  	s22 =	simm.s32 $0x1BFF;
	s21 =	sshll.u32 s6, $0x1;
	s3 =	sadd.s32 s4, s19  }
0x9c: {  	s7 =	simm.s32 $0x0;
	s20 =	sshll.u32 s5, $0x1;
	s5 =	sadd.s32 s21, s3  }
0x9d: {  	[timem:s7], [sflag:s22] =	dma.local [hbm:s5], s20  }
0x9e: {  	_ =	swait.ge [sflag:s22], s20  }
0x9f: {  	s4 =	ssub.s32 $0x0, s20;
	[sflag:s22] =	ssyncset.done $0x0  }
0xa0: {  	[sflag:s22] =	ssyncadd.s32 s4;
	_ =	sdelay $0x1  }
0xa1: {  	s23 =	simm.s32 $0x1B8B  }
0xa2: {  	_ =	swait.ge [sflag:s23], $0x1  }
0xa3: {  	[sflag:s23] =	ssyncset.done $0x0  }
0xa4: {  	s25 =	simm.s32 $0x1B8E;
	s24 =	sld [smem:$0x3FFE];
	[sflag:s23] =	ssyncadd.s32 $0xFFFFFFFF  }
0xa5: {  	s26 =	simm.s32 $execute0_lowered;
	[smem:$0x3FD2] =	sst s25  }
0xa6: {  	s5 =	sshll.u32 s26, $0x1;
	_ =	strace $0x80000046;
	[dreg:$0x1] =	wrdreg $0xFFFFFFFF  }
0xa7: {  	s28 =	simm.s32 $_size_execute0_lowered;
	s3 =	sadd.s32 s3, s5;
	[dreg:$0x0] =	wrdreg $0x0  }
0xa8: {  	s5 =	sshll.u32 s28, $0x1;
	[dreg:$0x2] =	wrdreg s3  }
0xa9: {  	[dreg:$0x3] =	wrdreg s5  }
0xaa: {  	[dreg:$0x4] =	wrdreg $0xC0  }
0xab: {  	_ =	task [dreg:s7], $0x5FFFF  }
0xac: {  	[dreg:$0x1] =	wrdreg $0xFFFFFFFF  }
0xad: {  	[dreg:$0x0] =	wrdreg $0x60  }
0xae: {  	[dreg:$0x2] =	wrdreg s2  }
0xaf: {  	[dreg:$0x3] =	wrdreg s24  }
0xb0: {  	[dreg:$0x4] =	wrdreg $0xA8000  }
0xb1: {  	[dreg:$0x5] =	wrdreg $0x9  }
0xb2: {  	_ =	task.clear_ibuf [dreg:s7], $0x6FFFF;
	_ =	strace $0x90000046  }
0xb3: {  	s29 =	simm.s32 $0x9;
	_ =	strace $0x80000048  }
0xb4: {  	_ =	swait.ge [sflag:s29], $0x1  }
0xb5: {  	[sflag:s29] =	ssyncadd.s32 $0xFFFFFFFF  }
0xb6: {  	_ =	strace $0x90000048  }
0xb7: {  	_ =	sfence  }
0xb8: {  	s30 =	sld [smem:$0x0];
	_ =	sdelay $0x2  }
0xb9: {  	s31 =	sshll.u32 s1, $0xD;
	s1 =	sshrl.u32 s1, $0x2  }
0xba: {  	s3 =	sand.u32 $0x4000, s31;
	s1 =	sadd.s32 s1, s30  }
0xbb: {  	s0 =	sor.u32 s3, s0;
	s1 =	sshll.u32 s1, $0x11  }
0xbc: {  	s0 =	sor.u32 s1, s0  }
0xbd: {  	s0 =	sadd.s32 $0x8F2B, s0  }
0xbe: {  	[sflag:s0] =	ssyncadd.remote.s32 $0x1  }
0xbf: {  	_ =	sfence.sel $0xFFFF  }
0xc0: {  	[dreg:$0x0] =	wrdreg $0xFFFFFFFF;
	(pc) =	sbr.abs _section_cstart, $3  }
0xc1: {  	[dreg:$0x1] =	wrdreg $0xFFFFFFFF  }
0xc2: {  	_ =	task.clear_ibuf [dreg:s7], $0x2FFFF;
	_ =	strace $0x9FFFFFFF  }
0xc3: {  	(tm) =	ssettm $0x7FFFFFFF  }
tec
execute0_lowered:
.L_overlay_start_1:
0x0: {  	(tag) =	ssettag $0x1  }
0x1: {  	s1 =	rddreg [dreg:$0x0]  }
0x2: {  	s6 =	rddreg [dreg:$0x1]  }
0x3: {  	s2 =	rddreg [dreg:$0x2]  }
0x4: {  	s3 =	srdreg.scid;
	s0 =	rddreg [dreg:$0x3]  }
0x5: {  	s4 =	simm.s32 $0x0;
	s17 =	simm.s32 $0x8000;
	s18 =	simm.s32 $0x2  }
0x6: {  	s19 =	simm.s32 $0x4000;
	s20 =	simm.s32 $0x50;
	s5 =	sand.u32 $0x1, s3  }
0x7: {  	s21 =	simm.s32 $0x1;
	s3 =	stileid.u32;
	s7 =	smul.u32 $0x140000, s5  }
0x8: {  	[smem:$0x7FF] =	sst s4;
	s8 =	sshll.u32 s3, $0xC;
	s10 =	smul.u32 $0x14000, s3  }
0x9: {  	s9 =	sshll.u32 s5, $0xB;
	s28 =	smul.u32 $0x50000, s3;
	s29 =	ssub.s32 $0x2, s5  }
0xa: {  	_ =	strace $0x80000047;
	s8 =	sor.u32 s9, s8;
	s31 =	sshrl.u32 s29, $0x1  }
0xb: {  	s14 =	sadd.s32 s8, s6;
	s7 =	sadd.s32 s10, s7;
	s30 =	sshrl.u32 s28, $0x2  }
0xc: {  	s16 =	ssub.s32 s29, s31;
	s7 =	sshrl.u32 s7, $0x3;
	s5 =	sadd.s32 s30, s2  }
0xd: {  	s13 =	sadd.s32 $0x11800, s14;
	s14 =	sadd.s32 $0x1800, s14;
	s16 =	smax.u32 s16, $0x1  }
0xe: {  	s15 =	sadd.s32 s7, s6;
	s6 =	sadd.s32 $0x2800, s5;
	s7 =	sadd.s32 $0x5000, s5  }
0xf: {  	s8 =	sadd.s32 $0x7800, s5;
	s9 =	sadd.s32 $0xA000, s5;
	s10 =	sadd.s32 $0xC800, s5  }
0x10: {  	v0 =	vimm.f32 $0.0e+00;
	s11 =	sadd.s32 $0xF000, s5;
	s12 =	sadd.s32 $0x11800, s5;
	s15 =	sadd.s32 $0x21800, s15  }
.LBB2_1:
0x11: {  	s22 =	simm.s32 $0x0;
	s23 =	simm.s32 $0x200  }
.LBB2_2:
0x12: {  	p0 =	sne.s32 s23, $0x9E00;
	[tilespmem:s22+$0x8070] =	vst v0  }
0x13: {  	[tilespmem:s22+$0x8000] =	vst v0  }
0x14: {  	[tilespmem:s22+$0x8010] =	vst v0  }
.Ltmp0:
0x15: {  	[tilespmem:s22+$0x8020] =	vst v0;
	(pc) =	sbr.rel @p0 .LBB2_2-.Ltmp0, $4  }
0x16: {  	[tilespmem:s22+$0x8030] =	vst v0  }
0x17: {  	[tilespmem:s22+$0x8040] =	vst v0  }
0x18: {  	[tilespmem:s22+$0x8050] =	vst v0  }
0x19: {  	[tilespmem:s22+$0x8060] =	vst v0;
	s22 =	sshra.s32 s23, $0x2;
	s23 =	sadd.s32 $0x200, s23  }
0x1a: {  	[tilespmem:s22+$0x8070] =	vst v0  }
0x1b: {  	[tilespmem:s22+$0x8000] =	vst v0  }
0x1c: {  	[tilespmem:s22+$0x8010] =	vst v0  }
0x1d: {  	[tilespmem:s22+$0x8020] =	vst v0  }
0x1e: {  	[tilespmem:s22+$0x8030] =	vst v0  }
0x1f: {  	[tilespmem:s22+$0x8040] =	vst v0  }
0x20: {  	[tilespmem:s22+$0x8050] =	vst v0  }
0x21: {  	[tilespmem:s22+$0x8060] =	vst v0  }
0x22: {  	[spmem:s5] =	stream.linear.scatter [tilespmem:s17], [sflag:$0x2], $0x2800, $0x38;
	[tilespmem:$0x1E800] =	vst v63  }
0x23: {  	_ =	swait.ge [sflag:s18], $0x2800  }
0x24: {  	[sflag:s18] =	ssyncset.done $0x0  }
0x25: {  	[sflag:s18] =	ssyncadd.s32 $0xFFFFD800  }
0x26: {  	[spmem:s6] =	stream.linear.scatter [tilespmem:s17], [sflag:$0x2], $0x2800, $0x38;
	[tilespmem:$0x1E800] =	vst v63  }
0x27: {  	_ =	swait.ge [sflag:s18], $0x2800  }
0x28: {  	[sflag:s18] =	ssyncset.done $0x0  }
0x29: {  	[sflag:s18] =	ssyncadd.s32 $0xFFFFD800  }
0x2a: {  	[spmem:s7] =	stream.linear.scatter [tilespmem:s17], [sflag:$0x2], $0x2800, $0x38;
	[tilespmem:$0x1E800] =	vst v63  }
0x2b: {  	_ =	swait.ge [sflag:s18], $0x2800  }
0x2c: {  	[sflag:s18] =	ssyncset.done $0x0  }
0x2d: {  	[sflag:s18] =	ssyncadd.s32 $0xFFFFD800  }
0x2e: {  	[spmem:s8] =	stream.linear.scatter [tilespmem:s17], [sflag:$0x2], $0x2800, $0x38;
	[tilespmem:$0x1E800] =	vst v63  }
0x2f: {  	_ =	swait.ge [sflag:s18], $0x2800  }
0x30: {  	[sflag:s18] =	ssyncset.done $0x0  }
0x31: {  	[sflag:s18] =	ssyncadd.s32 $0xFFFFD800  }
0x32: {  	[spmem:s9] =	stream.linear.scatter [tilespmem:s17], [sflag:$0x2], $0x2800, $0x38;
	[tilespmem:$0x1E800] =	vst v63  }
0x33: {  	_ =	swait.ge [sflag:s18], $0x2800  }
0x34: {  	[sflag:s18] =	ssyncset.done $0x0  }
0x35: {  	[sflag:s18] =	ssyncadd.s32 $0xFFFFD800  }
0x36: {  	[spmem:s10] =	stream.linear.scatter [tilespmem:s17], [sflag:$0x2], $0x2800, $0x38;
	[tilespmem:$0x1E800] =	vst v63  }
0x37: {  	_ =	swait.ge [sflag:s18], $0x2800  }
0x38: {  	[sflag:s18] =	ssyncset.done $0x0  }
0x39: {  	[sflag:s18] =	ssyncadd.s32 $0xFFFFD800  }
0x3a: {  	[spmem:s11] =	stream.linear.scatter [tilespmem:s17], [sflag:$0x2], $0x2800, $0x38;
	[tilespmem:$0x1E800] =	vst v63  }
0x3b: {  	_ =	swait.ge [sflag:s18], $0x2800  }
0x3c: {  	[sflag:s18] =	ssyncset.done $0x0  }
0x3d: {  	[sflag:s18] =	ssyncadd.s32 $0xFFFFD800  }
0x3e: {  	[spmem:s12] =	stream.linear.scatter [tilespmem:s17], [sflag:$0x2], $0x2800, $0x38;
	[tilespmem:$0x1E800] =	vst v63  }
0x3f: {  	_ =	swait.ge [sflag:s18], $0x2800  }
0x40: {  	[sflag:s18] =	ssyncset.done $0x0  }
0x41: {  	[sflag:s18] =	ssyncadd.s32 $0xFFFFD800  }
0x42: {  	s29 =	simm.s32 $0x0;
	[bflag:$0x0] =	sbarrier.arrive $0xFFFF  }
0x43: {  	[tilespmem:s29], [sflag:$0x2] =	stream.linear.gather [hbm4b:s13+s29], $0x4000, $0x38;
	[tilespmem:$0x1E800] =	vst v63  }
0x44: {  	_ =	swait.ge [sflag:s18], $0x4000  }
0x45: {  	[sflag:s18] =	ssyncset.done $0x0  }
0x46: {  	[sflag:s18] =	ssyncadd.s32 $0xFFFFC000  }
0x47: {  	[tilespmem:s19], [sflag:$0x2] =	stream.linear.gather [hbm4b:s14+s29], $0x4000, $0x38;
	[tilespmem:$0x1E800] =	vst v63  }
0x48: {  	_ =	swait.ge [sflag:s18], $0x4000  }
0x49: {  	[sflag:s18] =	ssyncset.done $0x0  }
0x4a: {  	s30 =	simm.s32 $0x0;
	[sflag:s18] =	ssyncadd.s32 $0xFFFFC000  }
0x4b: {  	[tilespmem:s17], [sflag:$0x1] =	stream.indirect.gather [hbm4b:s1+s20], $0x80, s30, s20, $0xb8;
	[tilespmem:$0x1E800] =	vst v63  }
0x4c: {  	_ =	swait.ge [sflag:s21], $0x2800  }
0x4d: {  	[sflag:s21] =	ssyncset.done $0x0  }
0x4e: {  	s31 =	simm.s32 $0x4000;
	[sflag:s21] =	ssyncadd.s32 $0xFFFFD800  }
0x4f: {  	[spmem:s2] =	stream.indirect.scatter.add.f32 [tilespmem:s17], [sflag:$0x2], $0x80, s31, s20, $0xb8;
	[tilespmem:$0x1E800] =	vst v63  }
0x50: {  	_ =	swait.ge [sflag:s18], $0x2800  }
0x51: {  	s22 =	simm.s32 $0x200;
	s23 =	simm.s32 $0x400;
	[sflag:s18] =	ssyncset.done $0x0  }
.LBB2_4:
0x52: {  	s24 =	sshra.s32 s22, $0x2  }
0x53: {  	[sflag:s18] =	ssyncadd.s32 $0xFFFFD800;
	s22 =	smov.u32 s23;
	s25 =	sadd.s32 $0x200, s23  }
0x54: {  	[tilespmem:s17], [sflag:$0x1] =	stream.indirect.gather [hbm4b:s1+s20], $0x80, s24, s20, $0xb8;
	[tilespmem:$0x1E800] =	vst v63  }
0x55: {  	p0 =	sne.s32 s23, $0xFE00;
	_ =	swait.ge [sflag:s21], $0x2800  }
.Ltmp1:
0x56: {  	[sflag:s21] =	ssyncset.done $0x0;
	(pc) =	sbr.rel @p0 .LBB2_4-.Ltmp1, $4  }
0x57: {  	s23 =	sadd.s32 $0x4000, s24;
	[sflag:s21] =	ssyncadd.s32 $0xFFFFD800  }
0x58: {  	[spmem:s2] =	stream.indirect.scatter.add.f32 [tilespmem:s17], [sflag:$0x2], $0x80, s23, s20, $0xb8;
	[tilespmem:$0x1E800] =	vst v63  }
0x59: {  	_ =	swait.ge [sflag:s18], $0x2800  }
0x5a: {  	s23 =	smov.u32 s25;
	[sflag:s18] =	ssyncset.done $0x0  }
0x5b: {  	s22 =	sshra.s32 s22, $0x2;
	[sflag:s18] =	ssyncadd.s32 $0xFFFFD800  }
0x5c: {  	[tilespmem:s17], [sflag:$0x1] =	stream.indirect.gather [hbm4b:s1+s20], $0x80, s22, s20, $0xb8;
	[tilespmem:$0x1E800] =	vst v63  }
0x5d: {  	_ =	swait.ge [sflag:s21], $0x2800  }
0x5e: {  	[sflag:s21] =	ssyncset.done $0x0  }
0x5f: {  	s22 =	sadd.s32 $0x4000, s22;
	[sflag:s21] =	ssyncadd.s32 $0xFFFFD800  }
0x60: {  	[spmem:s2] =	stream.indirect.scatter.add.f32 [tilespmem:s17], [sflag:$0x2], $0x80, s22, s20, $0xb8;
	[tilespmem:$0x1E800] =	vst v63  }
0x61: {  	_ =	swait.ge [sflag:s18], $0x2800  }
0x62: {  	s31 =	sshll.u32 s3, $0x6;
	s4 =	sadd.s32 $0x1, s4;
	[sflag:s18] =	ssyncset.done $0x0  }
0x63: {  	s23 =	sshrl.u32 s5, $0x3;
	p0 =	sne.s32 s4, s16;
	[sflag:s18] =	ssyncadd.s32 $0xFFFFD800  }
.Ltmp2:
0x64: {  	s22 =	sor.u32 $0x1C02, s31;
	[bflag:$0x0] =	sbarrier.arrive $0xFFFF;
	(pc) =	sbr.rel @p0 .LBB2_1-.Ltmp2, $4  }
0x65: {  	[hbm:s15], [sflag:s22] =	dma.local [spmem:s23], $0x2800  }
0x66: {  	_ =	swait.ge [sflag:s18], $0x2800  }
0x67: {  	[sflag:s18] =	ssyncset.done $0x0  }
0x68: {  	[sflag:s18] =	ssyncadd.s32 $0xFFFFD800  }
0x69: {  	_ =	sfence.sel $0x180000  }
0x6a: {  	[bflag:$0x0] =	sbarrier.arrive $0xFFFF  }
0x6b: {  	p0 =	sne.s32 s3, $0x0;
	_ =	strace $0x90000047  }
0x6c: {  	s0 =	sadd.s32 @!p0 $0x100000, s0;
	[bflag:$0x2] =	sbarrier.arrive $0xFFFF  }
0x6d: {  	[sflag:s0] =	ssyncadd.tile.s32 @!p0 $0x1;
	_ =	shalt  }
.Lfunc_end2:
_tile_overlayer_lowered:
.L_overlay_start_2:
0x6e: {  	(tag) =	ssettag $0x2  }
0x6f: {  	s0 =	rddreg [dreg:$0x0];
	s2 =	stileid.u32  }
0x70: {  	s1 =	rddreg [dreg:$0x1];
	p0 =	sne.s32 s2, $0x0  }
0x71: {  	s3 =	rddreg [dreg:$0x2];
	[bflag:$0x3] =	sbarrier.arrive $0xFFFF;
	s2 =	simm.s32 @!p0 $0x1C02  }
0x72: {  	[timem:s3], [sflag:s2] =	dma.local @!p0 [hbm:s0], s1  }
0x73: {  	s0 =	simm.s32 @!p0 $0x2  }
0x74: {  	_ =	swait.ge @!p0 [sflag:s0], s1  }
0x75: {  	s1 =	ssub.s32 @!p0 $0x0, s1;
	[sflag:s0] =	ssyncset.done @!p0 $0x0  }
0x76: {  	[sflag:s0] =	ssyncadd.s32 @!p0 s1  }
0x77: {  	[bflag:$0x3] =	sbarrier.arrive $0xFFFF  }
0x78: {  	_ =	shalt  }

</sc_bundles>
